<compile_context>
chip_gen: v7x
topology: tpu7x:2x2x1
jax: 0.10.2.dev20260603
libtpu: 0.0.44.dev20260713+nightly
codegen_flags: <defaults>
</compile_context>

<pallas_src>
import functools

import jax
import jax.numpy as jnp
from jax import lax
from jax.experimental import pallas as pl
from jax.experimental.pallas import tpu as pltpu
from jax.experimental.pallas import tpu_sc as plsc

N_NODES = 10000
FEAT = 128
OE = 256
EDGE_BLOCK = 16000
NODE_BLOCK = 2000
CHUNK = 256
KSUB = CHUNK // 128
N_TILES = 32
N_PAD = 10240
HALF = N_PAD // 2
ACC_ROWS = HALF + 8
ZSUB = HALF // 16


def _edge_body(rbft_ref, x_ref, w_ref, h_ref):
    s = lax.dot_general(rbft_ref[...], w_ref[...],
                        dimension_numbers=(((0,), (0,)), ((), ())),
                        preferred_element_type=jnp.float32)
    h_ref[...] = s * x_ref[...]


def _mlp_body(p_ref, wup_ref, w1_ref, b1_ref, w2_ref, b2_ref, w3_ref, b3_ref,
              wout_ref, o_ref):
    h = jnp.dot(p_ref[...], wup_ref[...], preferred_element_type=jnp.float32)
    for w_r, b_r in ((w1_ref, b1_ref), (w2_ref, b2_ref), (w3_ref, b3_ref)):
        z = jnp.dot(h, w_r[...], preferred_element_type=jnp.float32) + b_r[...]
        h = z * jax.nn.sigmoid(z)
    o_ref[...] = jnp.dot(h, wout_ref[...], preferred_element_type=jnp.float32)


def _sc_segment_sum(h, idx01, b0v, b1v, zeros):
    e = h.shape[0]
    n_chunks = e // CHUNK
    mesh = plsc.VectorSubcoreMesh(core_axis_name="c", subcore_axis_name="s")

    @functools.partial(
        pl.kernel,
        mesh=mesh,
        compiler_params=pltpu.CompilerParams(use_tc_tiling_on_sc=True,
                                             needs_layout_passes=False),
        out_type=jax.ShapeDtypeStruct((N_PAD, FEAT), jnp.float32),
        scratch_types=[
            pltpu.VMEM((2, CHUNK, FEAT), jnp.float32),
            pltpu.VMEM((2, KSUB, 128), jnp.int32),
            pltpu.VMEM((16,), jnp.int32),
            pltpu.VMEM_SHARED((ACC_ROWS, FEAT), jnp.float32),
            pltpu.SemaphoreType.DMA,
            pltpu.SemaphoreType.DMA,
            pltpu.SemaphoreType.DMA,
            pltpu.SemaphoreType.DMA,
        ],
    )
    def run(h_hbm, idx_hbm, b0_hbm, b1_hbm, z_hbm, out_hbm, hbuf, idxbuf,
            bvec, acc, sem0, sem1, ssem0, ssem1):
        c = lax.axis_index("c")
        s = lax.axis_index("s")
        r0 = s * ZSUB
        sems = (sem0, sem1)
        ssems = (ssem0, ssem1)

        pltpu.sync_copy(b0_hbm, bvec)
        nb0 = jnp.sum(bvec[...])
        pltpu.sync_copy(b1_hbm, bvec)
        nb1 = jnp.sum(bvec[...])

        start = jnp.where(c == 0, 0, nb1)
        end = jnp.where(c == 0, nb0, n_chunks)
        length = jnp.maximum(end - start, 0)
        per = (length + 15) // 16
        t0 = start + s * per
        t_iters = jnp.minimum(per, jnp.maximum(end - t0, 0))

        def start_load(b, j):
            ch = t0 + j
            pltpu.async_copy(h_hbm.at[pl.ds(ch * CHUNK, CHUNK)], hbuf.at[b],
                             sems[b])
            for k in range(KSUB):
                pltpu.async_copy(
                    idx_hbm.at[pl.ds(c * e + ch * CHUNK + k * 128, 128)],
                    idxbuf.at[b, k], sems[b])

        def wait_load(b):
            pltpu.make_async_copy(h_hbm.at[pl.ds(0, CHUNK)], hbuf.at[b],
                                  sems[b]).wait()
            for k in range(KSUB):
                pltpu.make_async_copy(idx_hbm.at[pl.ds(0, 128)],
                                      idxbuf.at[b, k], sems[b]).wait()

        def wait_scat(b, j):
            for k in range(KSUB):
                pltpu.make_async_copy(hbuf.at[b, pl.ds(k * 128, 128)],
                                      acc.at[idxbuf.at[b, k]], ssems[b]).wait()

        def do_scat(b, j):
            for k in range(KSUB):
                pltpu.async_copy(hbuf.at[b, pl.ds(k * 128, 128)],
                                 acc.at[idxbuf.at[b, k]], ssems[b], add=True)

        @pl.when(t_iters > 0)
        def _():
            start_load(0, 0)

        pltpu.sync_copy(z_hbm.at[pl.ds(r0, ZSUB)], acc.at[pl.ds(r0, ZSUB)])
        plsc.subcore_barrier()

        def body(jj, carry):
            for b in (0, 1):
                j = jj * 2 + b

                @pl.when(j < t_iters)
                def _():
                    wait_load(b)

                    @pl.when(j >= 1)
                    def _():
                        wait_scat(b ^ 1, j - 1)

                    @pl.when(j + 1 < t_iters)
                    def _():
                        start_load(b ^ 1, j + 1)

                    do_scat(b, j)

            return carry

        lax.fori_loop(0, (per + 1) // 2, body, 0)
        last_j = t_iters - 1
        last = last_j % 2

        @pl.when(t_iters > 0)
        def _():
            @pl.when(last == 0)
            def _():
                wait_scat(0, last_j)

            @pl.when(last == 1)
            def _():
                wait_scat(1, last_j)

        plsc.subcore_barrier()
        pltpu.sync_copy(acc.at[pl.ds(r0, ZSUB)],
                        out_hbm.at[pl.ds(c * HALF + r0, ZSUB)])

    return run(h, idx01, b0v, b1v, zeros)


def kernel(x, rbf, i, num_nodes, W_rbf, W_up, W1, b1, W2, b2, W3, b3, W_out):
    e = x.shape[0]
    nr = rbf.shape[1]

    rbf_t = jnp.pad(rbf.T, ((0, 8 - nr), (0, 0)))
    wrbf_t = jnp.pad(W_rbf.T, ((0, 8 - nr), (0, 0)))

    h = pl.pallas_call(
        _edge_body,
        grid=(e // EDGE_BLOCK,),
        in_specs=[
            pl.BlockSpec((8, EDGE_BLOCK), lambda g: (0, g)),
            pl.BlockSpec((EDGE_BLOCK, FEAT), lambda g: (g, 0)),
            pl.BlockSpec((8, FEAT), lambda g: (0, 0)),
        ],
        out_specs=pl.BlockSpec((EDGE_BLOCK, FEAT), lambda g: (g, 0)),
        out_shape=jax.ShapeDtypeStruct((e, FEAT), jnp.float32),
    )(rbf_t, x, wrbf_t)

    idx = i.astype(jnp.int32)
    idx0 = jnp.where(idx < HALF, idx, HALF)
    idx1 = jnp.where(idx >= HALF, idx - HALF, HALF)
    idx01 = jnp.concatenate([idx0, idx1])
    b_edge = jnp.sum((idx < HALF).astype(jnp.int32))
    nb0 = (b_edge + CHUNK - 1) // CHUNK
    nb1 = b_edge // CHUNK
    lane0 = (jax.lax.iota(jnp.int32, 16) == 0).astype(jnp.int32)
    b0v = lane0 * nb0
    b1v = lane0 * nb1

    zeros = jnp.zeros((HALF, FEAT), jnp.float32)
    partial = _sc_segment_sum(h, idx01, b0v, b1v, zeros)

    out = pl.pallas_call(
        _mlp_body,
        grid=(N_NODES // NODE_BLOCK,),
        in_specs=[
            pl.BlockSpec((NODE_BLOCK, FEAT), lambda g: (g, 0)),
            pl.BlockSpec((FEAT, OE), lambda g: (0, 0)),
            pl.BlockSpec((OE, OE), lambda g: (0, 0)),
            pl.BlockSpec((1, OE), lambda g: (0, 0)),
            pl.BlockSpec((OE, OE), lambda g: (0, 0)),
            pl.BlockSpec((1, OE), lambda g: (0, 0)),
            pl.BlockSpec((OE, OE), lambda g: (0, 0)),
            pl.BlockSpec((1, OE), lambda g: (0, 0)),
            pl.BlockSpec((OE, 1), lambda g: (0, 0)),
        ],
        out_specs=pl.BlockSpec((NODE_BLOCK, 1), lambda g: (g, 0)),
        out_shape=jax.ShapeDtypeStruct((N_NODES, 1), jnp.float32),
    )(partial, W_up.T, W1.T, b1.reshape(1, OE), W2.T, b2.reshape(1, OE),
      W3.T, b3.reshape(1, OE), W_out.T)
    return out

# --- scband reference (transcript-rebuilt; emitter-appended) ---
"""Pipeline reference for scband-output-block-80006650790312 (READ-ONLY COPY).

The authoritative reference and input builder live on the scoring server;
editing this copy changes nothing except your own understanding.
"""

import jax, jax.numpy as jnp
import numpy as np

E = 320000
N = 10000
NR = 6
H = 128
OE = 256
OC = 1


def setup_inputs(seed: int = 0) -> dict:
    key = jax.random.key(seed)
    ks = jax.random.split(key, 12)
    x = jax.random.normal(ks[0], (E, H), dtype=jnp.float32)
    rbf = jax.random.normal(ks[1], (E, NR), dtype=jnp.float32)
    i = jnp.sort(jax.random.randint(ks[2], (E,), 0, N, dtype=jnp.int64))
    # parameters (torch Linear convention: weight shape [out, in])
    W_rbf = jax.random.normal(ks[3], (H, NR), dtype=jnp.float32) * (1.0 / np.sqrt(NR))
    W_up = jax.random.normal(ks[4], (OE, H), dtype=jnp.float32) * (1.0 / np.sqrt(H))
    W1 = jax.random.normal(ks[5], (OE, OE), dtype=jnp.float32) * (1.0 / np.sqrt(OE))
    b1 = jnp.zeros((OE,), dtype=jnp.float32)
    W2 = jax.random.normal(ks[6], (OE, OE), dtype=jnp.float32) * (1.0 / np.sqrt(OE))
    b2 = jnp.zeros((OE,), dtype=jnp.float32)
    W3 = jax.random.normal(ks[7], (OE, OE), dtype=jnp.float32) * (1.0 / np.sqrt(OE))
    b3 = jnp.zeros((OE,), dtype=jnp.float32)
    W_out = jax.random.normal(ks[8], (OC, OE), dtype=jnp.float32) * (1.0 / np.sqrt(OE))
    return {"x": x, "rbf": rbf, "i": i, "num_nodes": N,
            "W_rbf": W_rbf, "W_up": W_up,
            "W1": W1, "b1": b1, "W2": W2, "b2": b2, "W3": W3, "b3": b3,
            "W_out": W_out}


def reference(x, rbf, i, num_nodes, W_rbf, W_up, W1, b1, W2, b2, W3, b3, W_out):
    # x = lin_rbf(rbf) * x
    h = (rbf @ W_rbf.T) * x
    # x = scatter(x, i, dim=0, dim_size=num_nodes)  (sum reduction)
    h = jax.ops.segment_sum(h, i + (num_nodes - num_nodes), num_segments=N)
    # x = lin_up(x)
    h = h @ W_up.T
    # hidden layers with swish activation
    for W, b in ((W1, b1), (W2, b2), (W3, b3)):
        z = h @ W.T + b
        h = z * jax.nn.sigmoid(z)  # swish
    # final projection (no bias)
    return h @ W_out.T

if __name__ == "__main__":
    import jax
    _d = setup_inputs()
    print(jax.jit(kernel)(*tuple(_d.values())))

</pallas_src>

<mosaic_0001>
#map = affine_map<(d0, d1) -> (0, 0)>
#map1 = affine_map<(d0, d1) -> (0)>
module attributes {stable_mosaic.version = 14 : i64} {
  func.func @run(%arg0: i32, %arg1: i32, %arg2: memref<320000x128xf32, #tpu.memory_space<hbm>>, %arg3: memref<640000xi32, #tpu.memory_space<hbm>>, %arg4: memref<16xi32, #tpu.memory_space<hbm>>, %arg5: memref<16xi32, #tpu.memory_space<hbm>>, %arg6: memref<5120x128xf32, #tpu.memory_space<hbm>>, %arg7: memref<10240x128xf32, #tpu.memory_space<hbm>>, %arg8: memref<2x256x128xf32, #tpu.memory_space<vmem>>, %arg9: memref<2x2x128xi32, #tpu.memory_space<vmem>>, %arg10: memref<16xi32, #tpu.memory_space<vmem>>, %arg11: memref<5128x128xf32, #tpu.memory_space<vmem_shared>>, %arg12: memref<!tpu.dma_semaphore, #tpu.memory_space<semaphore_mem>>, %arg13: memref<!tpu.dma_semaphore, #tpu.memory_space<semaphore_mem>>, %arg14: memref<!tpu.dma_semaphore, #tpu.memory_space<semaphore_mem>>, %arg15: memref<!tpu.dma_semaphore, #tpu.memory_space<semaphore_mem>>) attributes {dimension_semantics = [#tpu.dimension_semantics<core_parallel>, #tpu.dimension_semantics<subcore_parallel>], iteration_bounds = array<i64: 2, 16>, scalar_prefetch = 0 : i64, scratch_operands = 8 : i64, tpu.core_type = #tpu.core_type<sc_vector_subcore>, window_params = [{transform_indices = #map}, {transform_indices = #map1}, {transform_indices = #map1}, {transform_indices = #map1}, {transform_indices = #map}, {transform_indices = #map}]} {
    %mul3A = arith.constant 320 : i32
    %mul3A_0 = arith.muli %arg1, %mul3A : i32
    "tpu.region"() ({
      %run_scoped3A = tpu.sem_alloc : memref<!tpu.dma_semaphore, #tpu.memory_space<semaphore_mem>>
      tpu.enqueue_dma source(%arg4 : memref<16xi32, #tpu.memory_space<hbm>>) target(%arg10 : memref<16xi32, #tpu.memory_space<vmem>>) target_semaphore(%run_scoped3A : memref<!tpu.dma_semaphore, #tpu.memory_space<semaphore_mem>>)
      tpu.wait_dma2 semaphore(%run_scoped3A : memref<!tpu.dma_semaphore, #tpu.memory_space<semaphore_mem>>) src(%arg4 : memref<16xi32, #tpu.memory_space<hbm>>) dst(%arg10 : memref<16xi32, #tpu.memory_space<vmem>>)
      tpu.yield
    }) : () -> ()
    %get3A = arith.constant 0 : index
    %get3A_1 = tpu.vector_load %arg10[%get3A] {strides = array<i32>} : memref<16xi32, #tpu.memory_space<vmem>>, vector<16xi32>,
    %reduce_sum3A = arith.constant true
    %reduce_sum3A_2 = vector.broadcast %reduce_sum3A : i1 to vector<16xi1>
    %reduce_sum3A_3 = tpu.scan <sum>, %get3A_1 masked %reduce_sum3A_2 : vector<16xi32>, vector<16xi1> -> vector<16xi32>
    %reduce_sum3A_4 = vector.extract %reduce_sum3A_3[15] : i32 from vector<16xi32>
    "tpu.region"() ({
      %run_scoped3A = tpu.sem_alloc : memref<!tpu.dma_semaphore, #tpu.memory_space<semaphore_mem>>
      tpu.enqueue_dma source(%arg5 : memref<16xi32, #tpu.memory_space<hbm>>) target(%arg10 : memref<16xi32, #tpu.memory_space<vmem>>) target_semaphore(%run_scoped3A : memref<!tpu.dma_semaphore, #tpu.memory_space<semaphore_mem>>)
      tpu.wait_dma2 semaphore(%run_scoped3A : memref<!tpu.dma_semaphore, #tpu.memory_space<semaphore_mem>>) src(%arg5 : memref<16xi32, #tpu.memory_space<hbm>>) dst(%arg10 : memref<16xi32, #tpu.memory_space<vmem>>)
      tpu.yield
    }) : () -> ()
    %get3A_5 = arith.constant 0 : index
    %get3A_6 = tpu.vector_load %arg10[%get3A_5] {strides = array<i32>} : memref<16xi32, #tpu.memory_space<vmem>>, vector<16xi32>,
    %reduce_sum3A_7 = arith.constant true
    %reduce_sum3A_8 = vector.broadcast %reduce_sum3A_7 : i1 to vector<16xi1>
    %reduce_sum3A_9 = tpu.scan <sum>, %get3A_6 masked %reduce_sum3A_8 : vector<16xi32>, vector<16xi1> -> vector<16xi32>
    %reduce_sum3A_10 = vector.extract %reduce_sum3A_9[15] : i32 from vector<16xi32>
    %eq3A = arith.constant 0 : i32
    %eq3A_11 = arith.cmpi eq, %arg0, %eq3A : i32
    %jit3A = arith.constant 0 : i32
    %select_n3A = arith.select %eq3A_11, %jit3A, %reduce_sum3A_10 : i32
    %eq3A_12 = arith.constant 0 : i32
    %eq3A_13 = arith.cmpi eq, %arg0, %eq3A_12 : i32
    %jit3A_14 = arith.constant 1250 : i32
    %select_n3A_15 = arith.select %eq3A_13, %reduce_sum3A_4, %jit3A_14 : i32
    %sub3A = arith.subi %select_n3A_15, %select_n3A : i32
    %max3A = arith.constant 0 : i32
    %max3A_16 = arith.maxsi %sub3A, %max3A : i32
    %add3A = arith.constant 15 : i32
    %add3A_17 = arith.addi %max3A_16, %add3A : i32
    %jit3A_18 = arith.constant 16 : i32
    %div3A = arith.divsi %add3A_17, %jit3A_18 : i32
    %sign3A = arith.constant 0 : i32
    %sign3A_19 = arith.cmpi sgt, %add3A_17, %sign3A : i32
    %sign3A_20 = arith.extui %sign3A_19 : i1 to i32
    %sign3A_21 = arith.constant 0 : i32
    %sign3A_22 = arith.cmpi slt, %add3A_17, %sign3A_21 : i32
    %sign3A_23 = arith.extui %sign3A_22 : i1 to i32
    %sign3A_24 = arith.subi %sign3A_20, %sign3A_23 : i32
    %sign3A_25 = arith.constant 0 : i32
    %sign3A_26 = arith.cmpi sgt, %jit3A_18, %sign3A_25 : i32
    %sign3A_27 = arith.extui %sign3A_26 : i1 to i32
    %sign3A_28 = arith.constant 0 : i32
    %sign3A_29 = arith.cmpi slt, %jit3A_18, %sign3A_28 : i32
    %sign3A_30 = arith.extui %sign3A_29 : i1 to i32
    %sign3A_31 = arith.subi %sign3A_27, %sign3A_30 : i32
    %ne3A = arith.cmpi ne, %sign3A_24, %sign3A_31 : i32
    %rem3A = arith.remsi %add3A_17, %jit3A_18 : i32
    %ne3A_32 = arith.constant 0 : i32
    %ne3A_33 = arith.cmpi ne, %rem3A, %ne3A_32 : i32
    %and3A = arith.andi %ne3A, %ne3A_33 : i1
    %sub3A_34 = arith.constant 1 : i32
    %sub3A_35 = arith.subi %div3A, %sub3A_34 : i32
    %select_n3A_36 = arith.select %and3A, %sub3A_35, %div3A : i32
    %mul3A_37 = arith.muli %arg1, %select_n3A_36 : i32
    %add3A_38 = arith.addi %select_n3A, %mul3A_37 : i32
    %sub3A_39 = arith.subi %select_n3A_15, %add3A_38 : i32
    %max3A_40 = arith.constant 0 : i32
    %max3A_41 = arith.maxsi %sub3A_39, %max3A_40 : i32
    %min3A = arith.minsi %select_n3A_36, %max3A_41 : i32
    %gt3A = arith.constant 0 : i32
    %gt3A_42 = arith.cmpi sgt, %min3A, %gt3A : i32
    %convert_element_type3A = arith.extui %gt3A_42 : i1 to i32
    %cond3A = arith.constant 0 : i32
    %cond3A_43 = arith.cmpi ne, %convert_element_type3A, %cond3A : i32
    scf.if %cond3A_43 {
      %add3A_105 = arith.constant 0 : i32
      %add3A_106 = arith.addi %add3A_38, %add3A_105 : i32
      %mul3A_107 = arith.constant 256 : i32
      %mul3A_108 = arith.muli %add3A_106, %mul3A_107 : i32
      %dma_start3A = arith.constant 0 : i32
      %dma_start3A_109 = arith.constant 0 : i32
      %dma_start3A_110 = arith.constant 0 : i32
      %dma_start3A_111 = tpu.memref_slice %arg8[%dma_start3A, %dma_start3A_109, %dma_start3A_110] : memref<2x256x128xf32, #tpu.memory_space<vmem>> -> memref<1x256x128xf32, #tpu.memory_space<vmem>>
      %dma_start3A_112 = tpu.memref_squeeze %dma_start3A_111 : memref<1x256x128xf32, #tpu.memory_space<vmem>> -> memref<256x128xf32, #tpu.memory_space<vmem>>
      %dma_start3A_113 = arith.constant 0 : i32
      %dma_start3A_114 = tpu.memref_slice %arg2[%mul3A_108, %dma_start3A_113] : memref<320000x128xf32, #tpu.memory_space<hbm>> -> memref<256x128xf32, #tpu.memory_space<hbm>>
      %dma_start3A_115 = arith.constant 0 : i32
      %dma_start3A_116 = arith.constant 0 : i32
      %dma_start3A_117 = tpu.memref_slice %arg8[%dma_start3A, %dma_start3A_115, %dma_start3A_116] : memref<2x256x128xf32, #tpu.memory_space<vmem>> -> memref<1x256x128xf32, #tpu.memory_space<vmem>>
      %dma_start3A_118 = tpu.memref_squeeze %dma_start3A_117 : memref<1x256x128xf32, #tpu.memory_space<vmem>> -> memref<256x128xf32, #tpu.memory_space<vmem>>
      %dma_start3A_119 = arith.constant 0 : i32
      %dma_start3A_120 = tpu.memref_slice %arg2[%mul3A_108, %dma_start3A_119] : memref<320000x128xf32, #tpu.memory_space<hbm>> -> memref<256x128xf32, #tpu.memory_space<hbm>>
      tpu.enqueue_dma source(%dma_start3A_120 : memref<256x128xf32, #tpu.memory_space<hbm>>) target(%dma_start3A_118 : memref<256x128xf32, #tpu.memory_space<vmem>>) target_semaphore(%arg12 : memref<!tpu.dma_semaphore, #tpu.memory_space<semaphore_mem>>)
      %mul3A_121 = arith.constant 320000 : i32
      %mul3A_122 = arith.muli %arg0, %mul3A_121 : i32
      %mul3A_123 = arith.constant 256 : i32
      %mul3A_124 = arith.muli %add3A_106, %mul3A_123 : i32
      %add3A_125 = arith.addi %mul3A_122, %mul3A_124 : i32
      %add3A_126 = arith.constant 0 : i32
      %add3A_127 = arith.addi %add3A_125, %add3A_126 : i32
      %dma_start3A_128 = arith.constant 0 : i32
      %dma_start3A_129 = arith.constant 0 : i32
      %dma_start3A_130 = arith.constant 0 : i32
      %dma_start3A_131 = tpu.memref_slice %arg9[%dma_start3A_128, %dma_start3A_129, %dma_start3A_130] : memref<2x2x128xi32, #tpu.memory_space<vmem>> -> memref<1x1x128xi32, #tpu.memory_space<vmem>>
      %dma_start3A_132 = tpu.memref_squeeze %dma_start3A_131 : memref<1x1x128xi32, #tpu.memory_space<vmem>> -> memref<128xi32, #tpu.memory_space<vmem>>
      %dma_start3A_133 = tpu.memref_slice %arg3[%add3A_127] : memref<640000xi32, #tpu.memory_space<hbm>> -> memref<128xi32, #tpu.memory_space<hbm>>
      %dma_start3A_134 = arith.constant 0 : i32
      %dma_start3A_135 = tpu.memref_slice %arg9[%dma_start3A_128, %dma_start3A_129, %dma_start3A_134] : memref<2x2x128xi32, #tpu.memory_space<vmem>> -> memref<1x1x128xi32, #tpu.memory_space<vmem>>
      %dma_start3A_136 = tpu.memref_squeeze %dma_start3A_135 : memref<1x1x128xi32, #tpu.memory_space<vmem>> -> memref<128xi32, #tpu.memory_space<vmem>>
      %dma_start3A_137 = tpu.memref_slice %arg3[%add3A_127] : memref<640000xi32, #tpu.memory_space<hbm>> -> memref<128xi32, #tpu.memory_space<hbm>>
      tpu.enqueue_dma source(%dma_start3A_137 : memref<128xi32, #tpu.memory_space<hbm>>) target(%dma_start3A_136 : memref<128xi32, #tpu.memory_space<vmem>>) target_semaphore(%arg12 : memref<!tpu.dma_semaphore, #tpu.memory_space<semaphore_mem>>)
      %mul3A_138 = arith.constant 320000 : i32
      %mul3A_139 = arith.muli %arg0, %mul3A_138 : i32
      %mul3A_140 = arith.constant 256 : i32
      %mul3A_141 = arith.muli %add3A_106, %mul3A_140 : i32
      %add3A_142 = arith.addi %mul3A_139, %mul3A_141 : i32
      %add3A_143 = arith.constant 128 : i32
      %add3A_144 = arith.addi %add3A_142, %add3A_143 : i32
      %dma_start3A_145 = arith.constant 0 : i32
      %dma_start3A_146 = arith.constant 1 : i32
      %dma_start3A_147 = arith.constant 0 : i32
      %dma_start3A_148 = tpu.memref_slice %arg9[%dma_start3A_145, %dma_start3A_146, %dma_start3A_147] : memref<2x2x128xi32, #tpu.memory_space<vmem>> -> memref<1x1x128xi32, #tpu.memory_space<vmem>>
      %dma_start3A_149 = tpu.memref_squeeze %dma_start3A_148 : memref<1x1x128xi32, #tpu.memory_space<vmem>> -> memref<128xi32, #tpu.memory_space<vmem>>
      %dma_start3A_150 = tpu.memref_slice %arg3[%add3A_144] : memref<640000xi32, #tpu.memory_space<hbm>> -> memref<128xi32, #tpu.memory_space<hbm>>
      %dma_start3A_151 = arith.constant 0 : i32
      %dma_start3A_152 = tpu.memref_slice %arg9[%dma_start3A_145, %dma_start3A_146, %dma_start3A_151] : memref<2x2x128xi32, #tpu.memory_space<vmem>> -> memref<1x1x128xi32, #tpu.memory_space<vmem>>
      %dma_start3A_153 = tpu.memref_squeeze %dma_start3A_152 : memref<1x1x128xi32, #tpu.memory_space<vmem>> -> memref<128xi32, #tpu.memory_space<vmem>>
      %dma_start3A_154 = tpu.memref_slice %arg3[%add3A_144] : memref<640000xi32, #tpu.memory_space<hbm>> -> memref<128xi32, #tpu.memory_space<hbm>>
      tpu.enqueue_dma source(%dma_start3A_154 : memref<128xi32, #tpu.memory_space<hbm>>) target(%dma_start3A_153 : memref<128xi32, #tpu.memory_space<vmem>>) target_semaphore(%arg12 : memref<!tpu.dma_semaphore, #tpu.memory_space<semaphore_mem>>)
    } else {
    }
    "tpu.region"() ({
      %run_scoped3A = tpu.sem_alloc : memref<!tpu.dma_semaphore, #tpu.memory_space<semaphore_mem>>
      %dma_start3A = arith.constant 0 : i32
      %dma_start3A_105 = tpu.memref_slice %arg11[%mul3A_0, %dma_start3A] : memref<5128x128xf32, #tpu.memory_space<vmem_shared>> -> memref<320x128xf32, #tpu.memory_space<vmem_shared>>
      %dma_start3A_106 = arith.constant 0 : i32
      %dma_start3A_107 = tpu.memref_slice %arg6[%mul3A_0, %dma_start3A_106] : memref<5120x128xf32, #tpu.memory_space<hbm>> -> memref<320x128xf32, #tpu.memory_space<hbm>>
      tpu.enqueue_dma source(%dma_start3A_107 : memref<320x128xf32, #tpu.memory_space<hbm>>) target(%dma_start3A_105 : memref<320x128xf32, #tpu.memory_space<vmem_shared>>) target_semaphore(%run_scoped3A : memref<!tpu.dma_semaphore, #tpu.memory_space<semaphore_mem>>)
      %dma_wait3A = arith.constant 0 : i32
      %dma_wait3A_108 = tpu.memref_slice %arg11[%mul3A_0, %dma_wait3A] : memref<5128x128xf32, #tpu.memory_space<vmem_shared>> -> memref<320x128xf32, #tpu.memory_space<vmem_shared>>
      %dma_wait3A_109 = arith.constant 0 : i32
      %dma_wait3A_110 = tpu.memref_slice %arg6[%mul3A_0, %dma_wait3A_109] : memref<5120x128xf32, #tpu.memory_space<hbm>> -> memref<320x128xf32, #tpu.memory_space<hbm>>
      tpu.wait_dma2 semaphore(%run_scoped3A : memref<!tpu.dma_semaphore, #tpu.memory_space<semaphore_mem>>) src(%dma_wait3A_110 : memref<320x128xf32, #tpu.memory_space<hbm>>) dst(%dma_wait3A_108 : memref<320x128xf32, #tpu.memory_space<vmem_shared>>)
      tpu.yield
    }) : () -> ()
    %barrier3A = arith.constant 0 : index
    tpu.barrier barrier_id(%barrier3A)
    %add3A_44 = arith.constant 1 : i32
    %add3A_45 = arith.addi %select_n3A_36, %add3A_44 : i32
    %jit3A_46 = arith.constant 2 : i32
    %div3A_47 = arith.divsi %add3A_45, %jit3A_46 : i32
    %sign3A_48 = arith.constant 0 : i32
    %sign3A_49 = arith.cmpi sgt, %add3A_45, %sign3A_48 : i32
    %sign3A_50 = arith.extui %sign3A_49 : i1 to i32
    %sign3A_51 = arith.constant 0 : i32
    %sign3A_52 = arith.cmpi slt, %add3A_45, %sign3A_51 : i32
    %sign3A_53 = arith.extui %sign3A_52 : i1 to i32
    %sign3A_54 = arith.subi %sign3A_50, %sign3A_53 : i32
    %sign3A_55 = arith.constant 0 : i32
    %sign3A_56 = arith.cmpi sgt, %jit3A_46, %sign3A_55 : i32
    %sign3A_57 = arith.extui %sign3A_56 : i1 to i32
    %sign3A_58 = arith.constant 0 : i32
    %sign3A_59 = arith.cmpi slt, %jit3A_46, %sign3A_58 : i32
    %sign3A_60 = arith.extui %sign3A_59 : i1 to i32
    %sign3A_61 = arith.subi %sign3A_57, %sign3A_60 : i32
    %ne3A_62 = arith.cmpi ne, %sign3A_54, %sign3A_61 : i32
    %rem3A_63 = arith.remsi %add3A_45, %jit3A_46 : i32
    %ne3A_64 = arith.constant 0 : i32
    %ne3A_65 = arith.cmpi ne, %rem3A_63, %ne3A_64 : i32
    %and3A_66 = arith.andi %ne3A_62, %ne3A_65 : i1
    %sub3A_67 = arith.constant 1 : i32
    %sub3A_68 = arith.subi %div3A_47, %sub3A_67 : i32
    %select_n3A_69 = arith.select %and3A_66, %sub3A_68, %div3A_47 : i32
    %while3A = arith.constant 0 : i32
    %while3A_70 = arith.constant 0 : i32
    %while3A_71 = arith.subi %select_n3A_69, %while3A_70 : i32
    %while3A_72 = arith.addi %while3A_70, %while3A_71 : i32
    %while3A_73 = arith.constant 1 : i32
    %while3A_74 = arith.divsi %while3A_71, %while3A_73 : i32
    %while3A_75 = arith.muli %while3A_74, %while3A_73 : i32
    %while3A_76 = arith.addi %while3A_70, %while3A_75 : i32
    %while3A_77 = arith.constant 1 : i32
    scf.for %while3A_105 = %while3A_70 to %while3A_76 step %while3A_77  : i32 {
      %mul3A_106 = arith.constant 2 : i32
      %mul3A_107 = arith.muli %while3A_105, %mul3A_106 : i32
      %add3A_108 = arith.constant 0 : i32
      %add3A_109 = arith.addi %mul3A_107, %add3A_108 : i32
      %lt3A_110 = arith.cmpi slt, %add3A_109, %min3A : i32
      %convert_element_type3A_111 = arith.extui %lt3A_110 : i1 to i32
      %cond3A_112 = arith.constant 0 : i32
      %cond3A_113 = arith.cmpi ne, %convert_element_type3A_111, %cond3A_112 : i32
      scf.if %cond3A_113 {
        %dma_wait3A = arith.constant 0 : i32
        %dma_wait3A_122 = arith.constant 0 : i32
        %dma_wait3A_123 = arith.constant 0 : i32
        %dma_wait3A_124 = tpu.memref_slice %arg8[%dma_wait3A, %dma_wait3A_122, %dma_wait3A_123] : memref<2x256x128xf32, #tpu.memory_space<vmem>> -> memref<1x256x128xf32, #tpu.memory_space<vmem>>
        %dma_wait3A_125 = tpu.memref_squeeze %dma_wait3A_124 : memref<1x256x128xf32, #tpu.memory_space<vmem>> -> memref<256x128xf32, #tpu.memory_space<vmem>>
        %dma_wait3A_126 = arith.constant 0 : i32
        %dma_wait3A_127 = arith.constant 0 : i32
        %dma_wait3A_128 = tpu.memref_slice %arg2[%dma_wait3A_126, %dma_wait3A_127] : memref<320000x128xf32, #tpu.memory_space<hbm>> -> memref<256x128xf32, #tpu.memory_space<hbm>>
        %dma_wait3A_129 = arith.constant 0 : i32
        %dma_wait3A_130 = arith.constant 0 : i32
        %dma_wait3A_131 = tpu.memref_slice %arg8[%dma_wait3A, %dma_wait3A_129, %dma_wait3A_130] : memref<2x256x128xf32, #tpu.memory_space<vmem>> -> memref<1x256x128xf32, #tpu.memory_space<vmem>>
        %dma_wait3A_132 = tpu.memref_squeeze %dma_wait3A_131 : memref<1x256x128xf32, #tpu.memory_space<vmem>> -> memref<256x128xf32, #tpu.memory_space<vmem>>
        %dma_wait3A_133 = arith.constant 0 : i32
        %dma_wait3A_134 = arith.constant 0 : i32
        %dma_wait3A_135 = tpu.memref_slice %arg2[%dma_wait3A_133, %dma_wait3A_134] : memref<320000x128xf32, #tpu.memory_space<hbm>> -> memref<256x128xf32, #tpu.memory_space<hbm>>
        tpu.wait_dma2 semaphore(%arg12 : memref<!tpu.dma_semaphore, #tpu.memory_space<semaphore_mem>>) src(%dma_wait3A_135 : memref<256x128xf32, #tpu.memory_space<hbm>>) dst(%dma_wait3A_132 : memref<256x128xf32, #tpu.memory_space<vmem>>)
        %dma_wait3A_136 = arith.constant 0 : i32
        %dma_wait3A_137 = arith.constant 0 : i32
        %dma_wait3A_138 = arith.constant 0 : i32
        %dma_wait3A_139 = tpu.memref_slice %arg9[%dma_wait3A_136, %dma_wait3A_137, %dma_wait3A_138] : memref<2x2x128xi32, #tpu.memory_space<vmem>> -> memref<1x1x128xi32, #tpu.memory_space<vmem>>
        %dma_wait3A_140 = tpu.memref_squeeze %dma_wait3A_139 : memref<1x1x128xi32, #tpu.memory_space<vmem>> -> memref<128xi32, #tpu.memory_space<vmem>>
        %dma_wait3A_141 = arith.constant 0 : i32
        %dma_wait3A_142 = tpu.memref_slice %arg3[%dma_wait3A_141] : memref<640000xi32, #tpu.memory_space<hbm>> -> memref<128xi32, #tpu.memory_space<hbm>>
        %dma_wait3A_143 = arith.constant 0 : i32
        %dma_wait3A_144 = tpu.memref_slice %arg9[%dma_wait3A_136, %dma_wait3A_137, %dma_wait3A_143] : memref<2x2x128xi32, #tpu.memory_space<vmem>> -> memref<1x1x128xi32, #tpu.memory_space<vmem>>
        %dma_wait3A_145 = tpu.memref_squeeze %dma_wait3A_144 : memref<1x1x128xi32, #tpu.memory_space<vmem>> -> memref<128xi32, #tpu.memory_space<vmem>>
        %dma_wait3A_146 = arith.constant 0 : i32
        %dma_wait3A_147 = tpu.memref_slice %arg3[%dma_wait3A_146] : memref<640000xi32, #tpu.memory_space<hbm>> -> memref<128xi32, #tpu.memory_space<hbm>>
        tpu.wait_dma2 semaphore(%arg12 : memref<!tpu.dma_semaphore, #tpu.memory_space<semaphore_mem>>) src(%dma_wait3A_147 : memref<128xi32, #tpu.memory_space<hbm>>) dst(%dma_wait3A_145 : memref<128xi32, #tpu.memory_space<vmem>>)
        %dma_wait3A_148 = arith.constant 0 : i32
        %dma_wait3A_149 = arith.constant 1 : i32
        %dma_wait3A_150 = arith.constant 0 : i32
        %dma_wait3A_151 = tpu.memref_slice %arg9[%dma_wait3A_148, %dma_wait3A_149, %dma_wait3A_150] : memref<2x2x128xi32, #tpu.memory_space<vmem>> -> memref<1x1x128xi32, #tpu.memory_space<vmem>>
        %dma_wait3A_152 = tpu.memref_squeeze %dma_wait3A_151 : memref<1x1x128xi32, #tpu.memory_space<vmem>> -> memref<128xi32, #tpu.memory_space<vmem>>
        %dma_wait3A_153 = arith.constant 0 : i32
        %dma_wait3A_154 = tpu.memref_slice %arg3[%dma_wait3A_153] : memref<640000xi32, #tpu.memory_space<hbm>> -> memref<128xi32, #tpu.memory_space<hbm>>
        %dma_wait3A_155 = arith.constant 0 : i32
        %dma_wait3A_156 = tpu.memref_slice %arg9[%dma_wait3A_148, %dma_wait3A_149, %dma_wait3A_155] : memref<2x2x128xi32, #tpu.memory_space<vmem>> -> memref<1x1x128xi32, #tpu.memory_space<vmem>>
        %dma_wait3A_157 = tpu.memref_squeeze %dma_wait3A_156 : memref<1x1x128xi32, #tpu.memory_space<vmem>> -> memref<128xi32, #tpu.memory_space<vmem>>
        %dma_wait3A_158 = arith.constant 0 : i32
        %dma_wait3A_159 = tpu.memref_slice %arg3[%dma_wait3A_158] : memref<640000xi32, #tpu.memory_space<hbm>> -> memref<128xi32, #tpu.memory_space<hbm>>
        tpu.wait_dma2 semaphore(%arg12 : memref<!tpu.dma_semaphore, #tpu.memory_space<semaphore_mem>>) src(%dma_wait3A_159 : memref<128xi32, #tpu.memory_space<hbm>>) dst(%dma_wait3A_157 : memref<128xi32, #tpu.memory_space<vmem>>)
        %ge3A = arith.constant 1 : i32
        %ge3A_160 = arith.cmpi sge, %add3A_109, %ge3A : i32
        %convert_element_type3A_161 = arith.extui %ge3A_160 : i1 to i32
        %cond3A_162 = arith.constant 0 : i32
        %cond3A_163 = arith.cmpi ne, %convert_element_type3A_161, %cond3A_162 : i32
        scf.if %cond3A_163 {
          %sub3A_195 = arith.constant 1 : i32
          %sub3A_196 = arith.subi %add3A_109, %sub3A_195 : i32
          %dma_wait3A_197 = arith.constant 1 : i32
          %dma_wait3A_198 = arith.constant 1 : i32
          %dma_wait3A_199 = arith.constant 0 : i32
          %dma_wait3A_200 = arith.constant 0 : i32
          %dma_wait3A_201 = arith.constant 0 : i32
          %dma_wait3A_202 = tpu.memref_slice %arg8[%dma_wait3A_197, %dma_wait3A_200, %dma_wait3A_201] : memref<2x256x128xf32, #tpu.memory_space<vmem>> -> memref<1x128x128xf32, #tpu.memory_space<vmem>>
          %dma_wait3A_203 = tpu.memref_squeeze %dma_wait3A_202 : memref<1x128x128xf32, #tpu.memory_space<vmem>> -> memref<128x128xf32, #tpu.memory_space<vmem>>
          %dma_wait3A_204 = arith.constant 0 : i32
          %dma_wait3A_205 = tpu.memref_slice %arg9[%dma_wait3A_198, %dma_wait3A_199, %dma_wait3A_204] : memref<2x2x128xi32, #tpu.memory_space<vmem>> -> memref<1x1x128xi32, #tpu.memory_space<vmem>>
          %dma_wait3A_206 = tpu.memref_squeeze %dma_wait3A_205 : memref<1x1x128xi32, #tpu.memory_space<vmem>> -> memref<128xi32, #tpu.memory_space<vmem>>
          %dma_wait3A_207 = arith.constant 0 : i32
          %dma_wait3A_208 = arith.constant 0 : i32
          %dma_wait3A_209 = tpu.memref_slice %arg11[%dma_wait3A_207, %dma_wait3A_208] : memref<5128x128xf32, #tpu.memory_space<vmem_shared>> -> memref<5128x128xf32, #tpu.memory_space<vmem_shared>>
          tpu.wait_indirect_dma semaphore(%arg15 : memref<!tpu.dma_semaphore, #tpu.memory_space<semaphore_mem>>) src(%dma_wait3A_203 : memref<128x128xf32, #tpu.memory_space<vmem>>) dst(%dma_wait3A_209 : memref<5128x128xf32, #tpu.memory_space<vmem_shared>>)
          %dma_wait3A_210 = arith.constant 1 : i32
          %dma_wait3A_211 = arith.constant 1 : i32
          %dma_wait3A_212 = arith.constant 1 : i32
          %dma_wait3A_213 = arith.constant 128 : i32
          %dma_wait3A_214 = arith.constant 0 : i32
          %dma_wait3A_215 = tpu.memref_slice %arg8[%dma_wait3A_210, %dma_wait3A_213, %dma_wait3A_214] : memref<2x256x128xf32, #tpu.memory_space<vmem>> -> memref<1x128x128xf32, #tpu.memory_space<vmem>>
          %dma_wait3A_216 = tpu.memref_squeeze %dma_wait3A_215 : memref<1x128x128xf32, #tpu.memory_space<vmem>> -> memref<128x128xf32, #tpu.memory_space<vmem>>
          %dma_wait3A_217 = arith.constant 0 : i32
          %dma_wait3A_218 = tpu.memref_slice %arg9[%dma_wait3A_211, %dma_wait3A_212, %dma_wait3A_217] : memref<2x2x128xi32, #tpu.memory_space<vmem>> -> memref<1x1x128xi32, #tpu.memory_space<vmem>>
          %dma_wait3A_219 = tpu.memref_squeeze %dma_wait3A_218 : memref<1x1x128xi32, #tpu.memory_space<vmem>> -> memref<128xi32, #tpu.memory_space<vmem>>
          %dma_wait3A_220 = arith.constant 0 : i32
          %dma_wait3A_221 = arith.constant 0 : i32
          %dma_wait3A_222 = tpu.memref_slice %arg11[%dma_wait3A_220, %dma_wait3A_221] : memref<5128x128xf32, #tpu.memory_space<vmem_shared>> -> memref<5128x128xf32, #tpu.memory_space<vmem_shared>>
          tpu.wait_indirect_dma semaphore(%arg15 : memref<!tpu.dma_semaphore, #tpu.memory_space<semaphore_mem>>) src(%dma_wait3A_216 : memref<128x128xf32, #tpu.memory_space<vmem>>) dst(%dma_wait3A_222 : memref<5128x128xf32, #tpu.memory_space<vmem_shared>>)
        } else {
        }
        %add3A_164 = arith.constant 1 : i32
        %add3A_165 = arith.addi %add3A_109, %add3A_164 : i32
        %lt3A_166 = arith.cmpi slt, %add3A_165, %min3A : i32
        %convert_element_type3A_167 = arith.extui %lt3A_166 : i1 to i32
        %cond3A_168 = arith.constant 0 : i32
        %cond3A_169 = arith.cmpi ne, %convert_element_type3A_167, %cond3A_168 : i32
        scf.if %cond3A_169 {
          %add3A_195 = arith.constant 1 : i32
          %add3A_196 = arith.addi %add3A_109, %add3A_195 : i32
          %add3A_197 = arith.addi %add3A_38, %add3A_196 : i32
          %mul3A_198 = arith.constant 256 : i32
          %mul3A_199 = arith.muli %add3A_197, %mul3A_198 : i32
          %dma_start3A_200 = arith.constant 1 : i32
          %dma_start3A_201 = arith.constant 0 : i32
          %dma_start3A_202 = arith.constant 0 : i32
          %dma_start3A_203 = tpu.memref_slice %arg8[%dma_start3A_200, %dma_start3A_201, %dma_start3A_202] : memref<2x256x128xf32, #tpu.memory_space<vmem>> -> memref<1x256x128xf32, #tpu.memory_space<vmem>>
          %dma_start3A_204 = tpu.memref_squeeze %dma_start3A_203 : memref<1x256x128xf32, #tpu.memory_space<vmem>> -> memref<256x128xf32, #tpu.memory_space<vmem>>
          %dma_start3A_205 = arith.constant 0 : i32
          %dma_start3A_206 = tpu.memref_slice %arg2[%mul3A_199, %dma_start3A_205] : memref<320000x128xf32, #tpu.memory_space<hbm>> -> memref<256x128xf32, #tpu.memory_space<hbm>>
          %dma_start3A_207 = arith.constant 0 : i32
          %dma_start3A_208 = arith.constant 0 : i32
          %dma_start3A_209 = tpu.memref_slice %arg8[%dma_start3A_200, %dma_start3A_207, %dma_start3A_208] : memref<2x256x128xf32, #tpu.memory_space<vmem>> -> memref<1x256x128xf32, #tpu.memory_space<vmem>>
          %dma_start3A_210 = tpu.memref_squeeze %dma_start3A_209 : memref<1x256x128xf32, #tpu.memory_space<vmem>> -> memref<256x128xf32, #tpu.memory_space<vmem>>
          %dma_start3A_211 = arith.constant 0 : i32
          %dma_start3A_212 = tpu.memref_slice %arg2[%mul3A_199, %dma_start3A_211] : memref<320000x128xf32, #tpu.memory_space<hbm>> -> memref<256x128xf32, #tpu.memory_space<hbm>>
          tpu.enqueue_dma source(%dma_start3A_212 : memref<256x128xf32, #tpu.memory_space<hbm>>) target(%dma_start3A_210 : memref<256x128xf32, #tpu.memory_space<vmem>>) target_semaphore(%arg13 : memref<!tpu.dma_semaphore, #tpu.memory_space<semaphore_mem>>)
          %mul3A_213 = arith.constant 320000 : i32
          %mul3A_214 = arith.muli %arg0, %mul3A_213 : i32
          %mul3A_215 = arith.constant 256 : i32
          %mul3A_216 = arith.muli %add3A_197, %mul3A_215 : i32
          %add3A_217 = arith.addi %mul3A_214, %mul3A_216 : i32
          %add3A_218 = arith.constant 0 : i32
          %add3A_219 = arith.addi %add3A_217, %add3A_218 : i32
          %dma_start3A_220 = arith.constant 1 : i32
          %dma_start3A_221 = arith.constant 0 : i32
          %dma_start3A_222 = arith.constant 0 : i32
          %dma_start3A_223 = tpu.memref_slice %arg9[%dma_start3A_220, %dma_start3A_221, %dma_start3A_222] : memref<2x2x128xi32, #tpu.memory_space<vmem>> -> memref<1x1x128xi32, #tpu.memory_space<vmem>>
          %dma_start3A_224 = tpu.memref_squeeze %dma_start3A_223 : memref<1x1x128xi32, #tpu.memory_space<vmem>> -> memref<128xi32, #tpu.memory_space<vmem>>
          %dma_start3A_225 = tpu.memref_slice %arg3[%add3A_219] : memref<640000xi32, #tpu.memory_space<hbm>> -> memref<128xi32, #tpu.memory_space<hbm>>
          %dma_start3A_226 = arith.constant 0 : i32
          %dma_start3A_227 = tpu.memref_slice %arg9[%dma_start3A_220, %dma_start3A_221, %dma_start3A_226] : memref<2x2x128xi32, #tpu.memory_space<vmem>> -> memref<1x1x128xi32, #tpu.memory_space<vmem>>
          %dma_start3A_228 = tpu.memref_squeeze %dma_start3A_227 : memref<1x1x128xi32, #tpu.memory_space<vmem>> -> memref<128xi32, #tpu.memory_space<vmem>>
          %dma_start3A_229 = tpu.memref_slice %arg3[%add3A_219] : memref<640000xi32, #tpu.memory_space<hbm>> -> memref<128xi32, #tpu.memory_space<hbm>>
          tpu.enqueue_dma source(%dma_start3A_229 : memref<128xi32, #tpu.memory_space<hbm>>) target(%dma_start3A_228 : memref<128xi32, #tpu.memory_space<vmem>>) target_semaphore(%arg13 : memref<!tpu.dma_semaphore, #tpu.memory_space<semaphore_mem>>)
          %mul3A_230 = arith.constant 320000 : i32
          %mul3A_231 = arith.muli %arg0, %mul3A_230 : i32
          %mul3A_232 = arith.constant 256 : i32
          %mul3A_233 = arith.muli %add3A_197, %mul3A_232 : i32
          %add3A_234 = arith.addi %mul3A_231, %mul3A_233 : i32
          %add3A_235 = arith.constant 128 : i32
          %add3A_236 = arith.addi %add3A_234, %add3A_235 : i32
          %dma_start3A_237 = arith.constant 1 : i32
          %dma_start3A_238 = arith.constant 1 : i32
          %dma_start3A_239 = arith.constant 0 : i32
          %dma_start3A_240 = tpu.memref_slice %arg9[%dma_start3A_237, %dma_start3A_238, %dma_start3A_239] : memref<2x2x128xi32, #tpu.memory_space<vmem>> -> memref<1x1x128xi32, #tpu.memory_space<vmem>>
          %dma_start3A_241 = tpu.memref_squeeze %dma_start3A_240 : memref<1x1x128xi32, #tpu.memory_space<vmem>> -> memref<128xi32, #tpu.memory_space<vmem>>
          %dma_start3A_242 = tpu.memref_slice %arg3[%add3A_236] : memref<640000xi32, #tpu.memory_space<hbm>> -> memref<128xi32, #tpu.memory_space<hbm>>
          %dma_start3A_243 = arith.constant 0 : i32
          %dma_start3A_244 = tpu.memref_slice %arg9[%dma_start3A_237, %dma_start3A_238, %dma_start3A_243] : memref<2x2x128xi32, #tpu.memory_space<vmem>> -> memref<1x1x128xi32, #tpu.memory_space<vmem>>
          %dma_start3A_245 = tpu.memref_squeeze %dma_start3A_244 : memref<1x1x128xi32, #tpu.memory_space<vmem>> -> memref<128xi32, #tpu.memory_space<vmem>>
          %dma_start3A_246 = tpu.memref_slice %arg3[%add3A_236] : memref<640000xi32, #tpu.memory_space<hbm>> -> memref<128xi32, #tpu.memory_space<hbm>>
          tpu.enqueue_dma source(%dma_start3A_246 : memref<128xi32, #tpu.memory_space<hbm>>) target(%dma_start3A_245 : memref<128xi32, #tpu.memory_space<vmem>>) target_semaphore(%arg13 : memref<!tpu.dma_semaphore, #tpu.memory_space<semaphore_mem>>)
        } else {
        }
        %dma_start3A = arith.constant 0 : i32
        %dma_start3A_170 = arith.constant 0 : i32
        %dma_start3A_171 = arith.constant 0 : i32
        %dma_start3A_172 = arith.constant 0 : i32
        %dma_start3A_173 = arith.constant 0 : i32
        %dma_start3A_174 = tpu.memref_slice %arg8[%dma_start3A, %dma_start3A_172, %dma_start3A_173] : memref<2x256x128xf32, #tpu.memory_space<vmem>> -> memref<1x128x128xf32, #tpu.memory_space<vmem>>
        %dma_start3A_175 = tpu.memref_squeeze %dma_start3A_174 : memref<1x128x128xf32, #tpu.memory_space<vmem>> -> memref<128x128xf32, #tpu.memory_space<vmem>>
        %dma_start3A_176 = arith.constant 0 : i32
        %dma_start3A_177 = tpu.memref_slice %arg9[%dma_start3A_170, %dma_start3A_171, %dma_start3A_176] : memref<2x2x128xi32, #tpu.memory_space<vmem>> -> memref<1x1x128xi32, #tpu.memory_space<vmem>>
        %dma_start3A_178 = tpu.memref_squeeze %dma_start3A_177 : memref<1x1x128xi32, #tpu.memory_space<vmem>> -> memref<128xi32, #tpu.memory_space<vmem>>
        %dma_start3A_179 = arith.constant 0 : i32
        %dma_start3A_180 = arith.constant 0 : i32
        %dma_start3A_181 = tpu.memref_slice %arg11[%dma_start3A_179, %dma_start3A_180] : memref<5128x128xf32, #tpu.memory_space<vmem_shared>> -> memref<5128x128xf32, #tpu.memory_space<vmem_shared>>
        tpu.enqueue_indirect_dma source(%dma_start3A_175 : memref<128x128xf32, #tpu.memory_space<vmem>>) target(%dma_start3A_181 : memref<5128x128xf32, #tpu.memory_space<vmem_shared>>) offsets(%dma_start3A_178 : memref<128xi32, #tpu.memory_space<vmem>>) semaphore(%arg14 : memref<!tpu.dma_semaphore, #tpu.memory_space<semaphore_mem>>) {add = true}
        %dma_start3A_182 = arith.constant 0 : i32
        %dma_start3A_183 = arith.constant 0 : i32
        %dma_start3A_184 = arith.constant 1 : i32
        %dma_start3A_185 = arith.constant 128 : i32
        %dma_start3A_186 = arith.constant 0 : i32
        %dma_start3A_187 = tpu.memref_slice %arg8[%dma_start3A_182, %dma_start3A_185, %dma_start3A_186] : memref<2x256x128xf32, #tpu.memory_space<vmem>> -> memref<1x128x128xf32, #tpu.memory_space<vmem>>
        %dma_start3A_188 = tpu.memref_squeeze %dma_start3A_187 : memref<1x128x128xf32, #tpu.memory_space<vmem>> -> memref<128x128xf32, #tpu.memory_space<vmem>>
        %dma_start3A_189 = arith.constant 0 : i32
        %dma_start3A_190 = tpu.memref_slice %arg9[%dma_start3A_183, %dma_start3A_184, %dma_start3A_189] : memref<2x2x128xi32, #tpu.memory_space<vmem>> -> memref<1x1x128xi32, #tpu.memory_space<vmem>>
        %dma_start3A_191 = tpu.memref_squeeze %dma_start3A_190 : memref<1x1x128xi32, #tpu.memory_space<vmem>> -> memref<128xi32, #tpu.memory_space<vmem>>
        %dma_start3A_192 = arith.constant 0 : i32
        %dma_start3A_193 = arith.constant 0 : i32
        %dma_start3A_194 = tpu.memref_slice %arg11[%dma_start3A_192, %dma_start3A_193] : memref<5128x128xf32, #tpu.memory_space<vmem_shared>> -> memref<5128x128xf32, #tpu.memory_space<vmem_shared>>
        tpu.enqueue_indirect_dma source(%dma_start3A_188 : memref<128x128xf32, #tpu.memory_space<vmem>>) target(%dma_start3A_194 : memref<5128x128xf32, #tpu.memory_space<vmem_shared>>) offsets(%dma_start3A_191 : memref<128xi32, #tpu.memory_space<vmem>>) semaphore(%arg14 : memref<!tpu.dma_semaphore, #tpu.memory_space<semaphore_mem>>) {add = true}
      } else {
      }
      %mul3A_114 = arith.constant 2 : i32
      %mul3A_115 = arith.muli %while3A_105, %mul3A_114 : i32
      %add3A_116 = arith.constant 1 : i32
      %add3A_117 = arith.addi %mul3A_115, %add3A_116 : i32
      %lt3A_118 = arith.cmpi slt, %add3A_117, %min3A : i32
      %convert_element_type3A_119 = arith.extui %lt3A_118 : i1 to i32
      %cond3A_120 = arith.constant 0 : i32
      %cond3A_121 = arith.cmpi ne, %convert_element_type3A_119, %cond3A_120 : i32
      scf.if %cond3A_121 {
        %dma_wait3A = arith.constant 1 : i32
        %dma_wait3A_122 = arith.constant 0 : i32
        %dma_wait3A_123 = arith.constant 0 : i32
        %dma_wait3A_124 = tpu.memref_slice %arg8[%dma_wait3A, %dma_wait3A_122, %dma_wait3A_123] : memref<2x256x128xf32, #tpu.memory_space<vmem>> -> memref<1x256x128xf32, #tpu.memory_space<vmem>>
        %dma_wait3A_125 = tpu.memref_squeeze %dma_wait3A_124 : memref<1x256x128xf32, #tpu.memory_space<vmem>> -> memref<256x128xf32, #tpu.memory_space<vmem>>
        %dma_wait3A_126 = arith.constant 0 : i32
        %dma_wait3A_127 = arith.constant 0 : i32
        %dma_wait3A_128 = tpu.memref_slice %arg2[%dma_wait3A_126, %dma_wait3A_127] : memref<320000x128xf32, #tpu.memory_space<hbm>> -> memref<256x128xf32, #tpu.memory_space<hbm>>
        %dma_wait3A_129 = arith.constant 0 : i32
        %dma_wait3A_130 = arith.constant 0 : i32
        %dma_wait3A_131 = tpu.memref_slice %arg8[%dma_wait3A, %dma_wait3A_129, %dma_wait3A_130] : memref<2x256x128xf32, #tpu.memory_space<vmem>> -> memref<1x256x128xf32, #tpu.memory_space<vmem>>
        %dma_wait3A_132 = tpu.memref_squeeze %dma_wait3A_131 : memref<1x256x128xf32, #tpu.memory_space<vmem>> -> memref<256x128xf32, #tpu.memory_space<vmem>>
        %dma_wait3A_133 = arith.constant 0 : i32
        %dma_wait3A_134 = arith.constant 0 : i32
        %dma_wait3A_135 = tpu.memref_slice %arg2[%dma_wait3A_133, %dma_wait3A_134] : memref<320000x128xf32, #tpu.memory_space<hbm>> -> memref<256x128xf32, #tpu.memory_space<hbm>>
        tpu.wait_dma2 semaphore(%arg13 : memref<!tpu.dma_semaphore, #tpu.memory_space<semaphore_mem>>) src(%dma_wait3A_135 : memref<256x128xf32, #tpu.memory_space<hbm>>) dst(%dma_wait3A_132 : memref<256x128xf32, #tpu.memory_space<vmem>>)
        %dma_wait3A_136 = arith.constant 1 : i32
        %dma_wait3A_137 = arith.constant 0 : i32
        %dma_wait3A_138 = arith.constant 0 : i32
        %dma_wait3A_139 = tpu.memref_slice %arg9[%dma_wait3A_136, %dma_wait3A_137, %dma_wait3A_138] : memref<2x2x128xi32, #tpu.memory_space<vmem>> -> memref<1x1x128xi32, #tpu.memory_space<vmem>>
        %dma_wait3A_140 = tpu.memref_squeeze %dma_wait3A_139 : memref<1x1x128xi32, #tpu.memory_space<vmem>> -> memref<128xi32, #tpu.memory_space<vmem>>
        %dma_wait3A_141 = arith.constant 0 : i32
        %dma_wait3A_142 = tpu.memref_slice %arg3[%dma_wait3A_141] : memref<640000xi32, #tpu.memory_space<hbm>> -> memref<128xi32, #tpu.memory_space<hbm>>
        %dma_wait3A_143 = arith.constant 0 : i32
        %dma_wait3A_144 = tpu.memref_slice %arg9[%dma_wait3A_136, %dma_wait3A_137, %dma_wait3A_143] : memref<2x2x128xi32, #tpu.memory_space<vmem>> -> memref<1x1x128xi32, #tpu.memory_space<vmem>>
        %dma_wait3A_145 = tpu.memref_squeeze %dma_wait3A_144 : memref<1x1x128xi32, #tpu.memory_space<vmem>> -> memref<128xi32, #tpu.memory_space<vmem>>
        %dma_wait3A_146 = arith.constant 0 : i32
        %dma_wait3A_147 = tpu.memref_slice %arg3[%dma_wait3A_146] : memref<640000xi32, #tpu.memory_space<hbm>> -> memref<128xi32, #tpu.memory_space<hbm>>
        tpu.wait_dma2 semaphore(%arg13 : memref<!tpu.dma_semaphore, #tpu.memory_space<semaphore_mem>>) src(%dma_wait3A_147 : memref<128xi32, #tpu.memory_space<hbm>>) dst(%dma_wait3A_145 : memref<128xi32, #tpu.memory_space<vmem>>)
        %dma_wait3A_148 = arith.constant 1 : i32
        %dma_wait3A_149 = arith.constant 1 : i32
        %dma_wait3A_150 = arith.constant 0 : i32
        %dma_wait3A_151 = tpu.memref_slice %arg9[%dma_wait3A_148, %dma_wait3A_149, %dma_wait3A_150] : memref<2x2x128xi32, #tpu.memory_space<vmem>> -> memref<1x1x128xi32, #tpu.memory_space<vmem>>
        %dma_wait3A_152 = tpu.memref_squeeze %dma_wait3A_151 : memref<1x1x128xi32, #tpu.memory_space<vmem>> -> memref<128xi32, #tpu.memory_space<vmem>>
        %dma_wait3A_153 = arith.constant 0 : i32
        %dma_wait3A_154 = tpu.memref_slice %arg3[%dma_wait3A_153] : memref<640000xi32, #tpu.memory_space<hbm>> -> memref<128xi32, #tpu.memory_space<hbm>>
        %dma_wait3A_155 = arith.constant 0 : i32
        %dma_wait3A_156 = tpu.memref_slice %arg9[%dma_wait3A_148, %dma_wait3A_149, %dma_wait3A_155] : memref<2x2x128xi32, #tpu.memory_space<vmem>> -> memref<1x1x128xi32, #tpu.memory_space<vmem>>
        %dma_wait3A_157 = tpu.memref_squeeze %dma_wait3A_156 : memref<1x1x128xi32, #tpu.memory_space<vmem>> -> memref<128xi32, #tpu.memory_space<vmem>>
        %dma_wait3A_158 = arith.constant 0 : i32
        %dma_wait3A_159 = tpu.memref_slice %arg3[%dma_wait3A_158] : memref<640000xi32, #tpu.memory_space<hbm>> -> memref<128xi32, #tpu.memory_space<hbm>>
        tpu.wait_dma2 semaphore(%arg13 : memref<!tpu.dma_semaphore, #tpu.memory_space<semaphore_mem>>) src(%dma_wait3A_159 : memref<128xi32, #tpu.memory_space<hbm>>) dst(%dma_wait3A_157 : memref<128xi32, #tpu.memory_space<vmem>>)
        %ge3A = arith.constant 1 : i32
        %ge3A_160 = arith.cmpi sge, %add3A_117, %ge3A : i32
        %convert_element_type3A_161 = arith.extui %ge3A_160 : i1 to i32
        %cond3A_162 = arith.constant 0 : i32
        %cond3A_163 = arith.cmpi ne, %convert_element_type3A_161, %cond3A_162 : i32
        scf.if %cond3A_163 {
          %sub3A_195 = arith.constant 1 : i32
          %sub3A_196 = arith.subi %add3A_117, %sub3A_195 : i32
          %dma_wait3A_197 = arith.constant 0 : i32
          %dma_wait3A_198 = arith.constant 0 : i32
          %dma_wait3A_199 = arith.constant 0 : i32
          %dma_wait3A_200 = arith.constant 0 : i32
          %dma_wait3A_201 = arith.constant 0 : i32
          %dma_wait3A_202 = tpu.memref_slice %arg8[%dma_wait3A_197, %dma_wait3A_200, %dma_wait3A_201] : memref<2x256x128xf32, #tpu.memory_space<vmem>> -> memref<1x128x128xf32, #tpu.memory_space<vmem>>
          %dma_wait3A_203 = tpu.memref_squeeze %dma_wait3A_202 : memref<1x128x128xf32, #tpu.memory_space<vmem>> -> memref<128x128xf32, #tpu.memory_space<vmem>>
          %dma_wait3A_204 = arith.constant 0 : i32
          %dma_wait3A_205 = tpu.memref_slice %arg9[%dma_wait3A_198, %dma_wait3A_199, %dma_wait3A_204] : memref<2x2x128xi32, #tpu.memory_space<vmem>> -> memref<1x1x128xi32, #tpu.memory_space<vmem>>
          %dma_wait3A_206 = tpu.memref_squeeze %dma_wait3A_205 : memref<1x1x128xi32, #tpu.memory_space<vmem>> -> memref<128xi32, #tpu.memory_space<vmem>>
          %dma_wait3A_207 = arith.constant 0 : i32
          %dma_wait3A_208 = arith.constant 0 : i32
          %dma_wait3A_209 = tpu.memref_slice %arg11[%dma_wait3A_207, %dma_wait3A_208] : memref<5128x128xf32, #tpu.memory_space<vmem_shared>> -> memref<5128x128xf32, #tpu.memory_space<vmem_shared>>
          tpu.wait_indirect_dma semaphore(%arg14 : memref<!tpu.dma_semaphore, #tpu.memory_space<semaphore_mem>>) src(%dma_wait3A_203 : memref<128x128xf32, #tpu.memory_space<vmem>>) dst(%dma_wait3A_209 : memref<5128x128xf32, #tpu.memory_space<vmem_shared>>)
          %dma_wait3A_210 = arith.constant 0 : i32
          %dma_wait3A_211 = arith.constant 0 : i32
          %dma_wait3A_212 = arith.constant 1 : i32
          %dma_wait3A_213 = arith.constant 128 : i32
          %dma_wait3A_214 = arith.constant 0 : i32
          %dma_wait3A_215 = tpu.memref_slice %arg8[%dma_wait3A_210, %dma_wait3A_213, %dma_wait3A_214] : memref<2x256x128xf32, #tpu.memory_space<vmem>> -> memref<1x128x128xf32, #tpu.memory_space<vmem>>
          %dma_wait3A_216 = tpu.memref_squeeze %dma_wait3A_215 : memref<1x128x128xf32, #tpu.memory_space<vmem>> -> memref<128x128xf32, #tpu.memory_space<vmem>>
          %dma_wait3A_217 = arith.constant 0 : i32
          %dma_wait3A_218 = tpu.memref_slice %arg9[%dma_wait3A_211, %dma_wait3A_212, %dma_wait3A_217] : memref<2x2x128xi32, #tpu.memory_space<vmem>> -> memref<1x1x128xi32, #tpu.memory_space<vmem>>
          %dma_wait3A_219 = tpu.memref_squeeze %dma_wait3A_218 : memref<1x1x128xi32, #tpu.memory_space<vmem>> -> memref<128xi32, #tpu.memory_space<vmem>>
          %dma_wait3A_220 = arith.constant 0 : i32
          %dma_wait3A_221 = arith.constant 0 : i32
          %dma_wait3A_222 = tpu.memref_slice %arg11[%dma_wait3A_220, %dma_wait3A_221] : memref<5128x128xf32, #tpu.memory_space<vmem_shared>> -> memref<5128x128xf32, #tpu.memory_space<vmem_shared>>
          tpu.wait_indirect_dma semaphore(%arg14 : memref<!tpu.dma_semaphore, #tpu.memory_space<semaphore_mem>>) src(%dma_wait3A_216 : memref<128x128xf32, #tpu.memory_space<vmem>>) dst(%dma_wait3A_222 : memref<5128x128xf32, #tpu.memory_space<vmem_shared>>)
        } else {
        }
        %add3A_164 = arith.constant 1 : i32
        %add3A_165 = arith.addi %add3A_117, %add3A_164 : i32
        %lt3A_166 = arith.cmpi slt, %add3A_165, %min3A : i32
        %convert_element_type3A_167 = arith.extui %lt3A_166 : i1 to i32
        %cond3A_168 = arith.constant 0 : i32
        %cond3A_169 = arith.cmpi ne, %convert_element_type3A_167, %cond3A_168 : i32
        scf.if %cond3A_169 {
          %add3A_195 = arith.constant 1 : i32
          %add3A_196 = arith.addi %add3A_117, %add3A_195 : i32
          %add3A_197 = arith.addi %add3A_38, %add3A_196 : i32
          %mul3A_198 = arith.constant 256 : i32
          %mul3A_199 = arith.muli %add3A_197, %mul3A_198 : i32
          %dma_start3A_200 = arith.constant 0 : i32
          %dma_start3A_201 = arith.constant 0 : i32
          %dma_start3A_202 = arith.constant 0 : i32
          %dma_start3A_203 = tpu.memref_slice %arg8[%dma_start3A_200, %dma_start3A_201, %dma_start3A_202] : memref<2x256x128xf32, #tpu.memory_space<vmem>> -> memref<1x256x128xf32, #tpu.memory_space<vmem>>
          %dma_start3A_204 = tpu.memref_squeeze %dma_start3A_203 : memref<1x256x128xf32, #tpu.memory_space<vmem>> -> memref<256x128xf32, #tpu.memory_space<vmem>>
          %dma_start3A_205 = arith.constant 0 : i32
          %dma_start3A_206 = tpu.memref_slice %arg2[%mul3A_199, %dma_start3A_205] : memref<320000x128xf32, #tpu.memory_space<hbm>> -> memref<256x128xf32, #tpu.memory_space<hbm>>
          %dma_start3A_207 = arith.constant 0 : i32
          %dma_start3A_208 = arith.constant 0 : i32
          %dma_start3A_209 = tpu.memref_slice %arg8[%dma_start3A_200, %dma_start3A_207, %dma_start3A_208] : memref<2x256x128xf32, #tpu.memory_space<vmem>> -> memref<1x256x128xf32, #tpu.memory_space<vmem>>
          %dma_start3A_210 = tpu.memref_squeeze %dma_start3A_209 : memref<1x256x128xf32, #tpu.memory_space<vmem>> -> memref<256x128xf32, #tpu.memory_space<vmem>>
          %dma_start3A_211 = arith.constant 0 : i32
          %dma_start3A_212 = tpu.memref_slice %arg2[%mul3A_199, %dma_start3A_211] : memref<320000x128xf32, #tpu.memory_space<hbm>> -> memref<256x128xf32, #tpu.memory_space<hbm>>
          tpu.enqueue_dma source(%dma_start3A_212 : memref<256x128xf32, #tpu.memory_space<hbm>>) target(%dma_start3A_210 : memref<256x128xf32, #tpu.memory_space<vmem>>) target_semaphore(%arg12 : memref<!tpu.dma_semaphore, #tpu.memory_space<semaphore_mem>>)
          %mul3A_213 = arith.constant 320000 : i32
          %mul3A_214 = arith.muli %arg0, %mul3A_213 : i32
          %mul3A_215 = arith.constant 256 : i32
          %mul3A_216 = arith.muli %add3A_197, %mul3A_215 : i32
          %add3A_217 = arith.addi %mul3A_214, %mul3A_216 : i32
          %add3A_218 = arith.constant 0 : i32
          %add3A_219 = arith.addi %add3A_217, %add3A_218 : i32
          %dma_start3A_220 = arith.constant 0 : i32
          %dma_start3A_221 = arith.constant 0 : i32
          %dma_start3A_222 = arith.constant 0 : i32
          %dma_start3A_223 = tpu.memref_slice %arg9[%dma_start3A_220, %dma_start3A_221, %dma_start3A_222] : memref<2x2x128xi32, #tpu.memory_space<vmem>> -> memref<1x1x128xi32, #tpu.memory_space<vmem>>
          %dma_start3A_224 = tpu.memref_squeeze %dma_start3A_223 : memref<1x1x128xi32, #tpu.memory_space<vmem>> -> memref<128xi32, #tpu.memory_space<vmem>>
          %dma_start3A_225 = tpu.memref_slice %arg3[%add3A_219] : memref<640000xi32, #tpu.memory_space<hbm>> -> memref<128xi32, #tpu.memory_space<hbm>>
          %dma_start3A_226 = arith.constant 0 : i32
          %dma_start3A_227 = tpu.memref_slice %arg9[%dma_start3A_220, %dma_start3A_221, %dma_start3A_226] : memref<2x2x128xi32, #tpu.memory_space<vmem>> -> memref<1x1x128xi32, #tpu.memory_space<vmem>>
          %dma_start3A_228 = tpu.memref_squeeze %dma_start3A_227 : memref<1x1x128xi32, #tpu.memory_space<vmem>> -> memref<128xi32, #tpu.memory_space<vmem>>
          %dma_start3A_229 = tpu.memref_slice %arg3[%add3A_219] : memref<640000xi32, #tpu.memory_space<hbm>> -> memref<128xi32, #tpu.memory_space<hbm>>
          tpu.enqueue_dma source(%dma_start3A_229 : memref<128xi32, #tpu.memory_space<hbm>>) target(%dma_start3A_228 : memref<128xi32, #tpu.memory_space<vmem>>) target_semaphore(%arg12 : memref<!tpu.dma_semaphore, #tpu.memory_space<semaphore_mem>>)
          %mul3A_230 = arith.constant 320000 : i32
          %mul3A_231 = arith.muli %arg0, %mul3A_230 : i32
          %mul3A_232 = arith.constant 256 : i32
          %mul3A_233 = arith.muli %add3A_197, %mul3A_232 : i32
          %add3A_234 = arith.addi %mul3A_231, %mul3A_233 : i32
          %add3A_235 = arith.constant 128 : i32
          %add3A_236 = arith.addi %add3A_234, %add3A_235 : i32
          %dma_start3A_237 = arith.constant 0 : i32
          %dma_start3A_238 = arith.constant 1 : i32
          %dma_start3A_239 = arith.constant 0 : i32
          %dma_start3A_240 = tpu.memref_slice %arg9[%dma_start3A_237, %dma_start3A_238, %dma_start3A_239] : memref<2x2x128xi32, #tpu.memory_space<vmem>> -> memref<1x1x128xi32, #tpu.memory_space<vmem>>
          %dma_start3A_241 = tpu.memref_squeeze %dma_start3A_240 : memref<1x1x128xi32, #tpu.memory_space<vmem>> -> memref<128xi32, #tpu.memory_space<vmem>>
          %dma_start3A_242 = tpu.memref_slice %arg3[%add3A_236] : memref<640000xi32, #tpu.memory_space<hbm>> -> memref<128xi32, #tpu.memory_space<hbm>>
          %dma_start3A_243 = arith.constant 0 : i32
          %dma_start3A_244 = tpu.memref_slice %arg9[%dma_start3A_237, %dma_start3A_238, %dma_start3A_243] : memref<2x2x128xi32, #tpu.memory_space<vmem>> -> memref<1x1x128xi32, #tpu.memory_space<vmem>>
          %dma_start3A_245 = tpu.memref_squeeze %dma_start3A_244 : memref<1x1x128xi32, #tpu.memory_space<vmem>> -> memref<128xi32, #tpu.memory_space<vmem>>
          %dma_start3A_246 = tpu.memref_slice %arg3[%add3A_236] : memref<640000xi32, #tpu.memory_space<hbm>> -> memref<128xi32, #tpu.memory_space<hbm>>
          tpu.enqueue_dma source(%dma_start3A_246 : memref<128xi32, #tpu.memory_space<hbm>>) target(%dma_start3A_245 : memref<128xi32, #tpu.memory_space<vmem>>) target_semaphore(%arg12 : memref<!tpu.dma_semaphore, #tpu.memory_space<semaphore_mem>>)
        } else {
        }
        %dma_start3A = arith.constant 1 : i32
        %dma_start3A_170 = arith.constant 1 : i32
        %dma_start3A_171 = arith.constant 0 : i32
        %dma_start3A_172 = arith.constant 0 : i32
        %dma_start3A_173 = arith.constant 0 : i32
        %dma_start3A_174 = tpu.memref_slice %arg8[%dma_start3A, %dma_start3A_172, %dma_start3A_173] : memref<2x256x128xf32, #tpu.memory_space<vmem>> -> memref<1x128x128xf32, #tpu.memory_space<vmem>>
        %dma_start3A_175 = tpu.memref_squeeze %dma_start3A_174 : memref<1x128x128xf32, #tpu.memory_space<vmem>> -> memref<128x128xf32, #tpu.memory_space<vmem>>
        %dma_start3A_176 = arith.constant 0 : i32
        %dma_start3A_177 = tpu.memref_slice %arg9[%dma_start3A_170, %dma_start3A_171, %dma_start3A_176] : memref<2x2x128xi32, #tpu.memory_space<vmem>> -> memref<1x1x128xi32, #tpu.memory_space<vmem>>
        %dma_start3A_178 = tpu.memref_squeeze %dma_start3A_177 : memref<1x1x128xi32, #tpu.memory_space<vmem>> -> memref<128xi32, #tpu.memory_space<vmem>>
        %dma_start3A_179 = arith.constant 0 : i32
        %dma_start3A_180 = arith.constant 0 : i32
        %dma_start3A_181 = tpu.memref_slice %arg11[%dma_start3A_179, %dma_start3A_180] : memref<5128x128xf32, #tpu.memory_space<vmem_shared>> -> memref<5128x128xf32, #tpu.memory_space<vmem_shared>>
        tpu.enqueue_indirect_dma source(%dma_start3A_175 : memref<128x128xf32, #tpu.memory_space<vmem>>) target(%dma_start3A_181 : memref<5128x128xf32, #tpu.memory_space<vmem_shared>>) offsets(%dma_start3A_178 : memref<128xi32, #tpu.memory_space<vmem>>) semaphore(%arg15 : memref<!tpu.dma_semaphore, #tpu.memory_space<semaphore_mem>>) {add = true}
        %dma_start3A_182 = arith.constant 1 : i32
        %dma_start3A_183 = arith.constant 1 : i32
        %dma_start3A_184 = arith.constant 1 : i32
        %dma_start3A_185 = arith.constant 128 : i32
        %dma_start3A_186 = arith.constant 0 : i32
        %dma_start3A_187 = tpu.memref_slice %arg8[%dma_start3A_182, %dma_start3A_185, %dma_start3A_186] : memref<2x256x128xf32, #tpu.memory_space<vmem>> -> memref<1x128x128xf32, #tpu.memory_space<vmem>>
        %dma_start3A_188 = tpu.memref_squeeze %dma_start3A_187 : memref<1x128x128xf32, #tpu.memory_space<vmem>> -> memref<128x128xf32, #tpu.memory_space<vmem>>
        %dma_start3A_189 = arith.constant 0 : i32
        %dma_start3A_190 = tpu.memref_slice %arg9[%dma_start3A_183, %dma_start3A_184, %dma_start3A_189] : memref<2x2x128xi32, #tpu.memory_space<vmem>> -> memref<1x1x128xi32, #tpu.memory_space<vmem>>
        %dma_start3A_191 = tpu.memref_squeeze %dma_start3A_190 : memref<1x1x128xi32, #tpu.memory_space<vmem>> -> memref<128xi32, #tpu.memory_space<vmem>>
        %dma_start3A_192 = arith.constant 0 : i32
        %dma_start3A_193 = arith.constant 0 : i32
        %dma_start3A_194 = tpu.memref_slice %arg11[%dma_start3A_192, %dma_start3A_193] : memref<5128x128xf32, #tpu.memory_space<vmem_shared>> -> memref<5128x128xf32, #tpu.memory_space<vmem_shared>>
        tpu.enqueue_indirect_dma source(%dma_start3A_188 : memref<128x128xf32, #tpu.memory_space<vmem>>) target(%dma_start3A_194 : memref<5128x128xf32, #tpu.memory_space<vmem_shared>>) offsets(%dma_start3A_191 : memref<128xi32, #tpu.memory_space<vmem>>) semaphore(%arg15 : memref<!tpu.dma_semaphore, #tpu.memory_space<semaphore_mem>>) {add = true}
      } else {
      }
    }
    %while3A_78 = arith.constant 1 : i32
    scf.for %while3A_105 = %while3A_76 to %while3A_72 step %while3A_78  : i32 {
      %mul3A_106 = arith.constant 2 : i32
      %mul3A_107 = arith.muli %while3A_105, %mul3A_106 : i32
      %add3A_108 = arith.constant 0 : i32
      %add3A_109 = arith.addi %mul3A_107, %add3A_108 : i32
      %lt3A_110 = arith.cmpi slt, %add3A_109, %min3A : i32
      %convert_element_type3A_111 = arith.extui %lt3A_110 : i1 to i32
      %cond3A_112 = arith.constant 0 : i32
      %cond3A_113 = arith.cmpi ne, %convert_element_type3A_111, %cond3A_112 : i32
      scf.if %cond3A_113 {
        %dma_wait3A = arith.constant 0 : i32
        %dma_wait3A_122 = arith.constant 0 : i32
        %dma_wait3A_123 = arith.constant 0 : i32
        %dma_wait3A_124 = tpu.memref_slice %arg8[%dma_wait3A, %dma_wait3A_122, %dma_wait3A_123] : memref<2x256x128xf32, #tpu.memory_space<vmem>> -> memref<1x256x128xf32, #tpu.memory_space<vmem>>
        %dma_wait3A_125 = tpu.memref_squeeze %dma_wait3A_124 : memref<1x256x128xf32, #tpu.memory_space<vmem>> -> memref<256x128xf32, #tpu.memory_space<vmem>>
        %dma_wait3A_126 = arith.constant 0 : i32
        %dma_wait3A_127 = arith.constant 0 : i32
        %dma_wait3A_128 = tpu.memref_slice %arg2[%dma_wait3A_126, %dma_wait3A_127] : memref<320000x128xf32, #tpu.memory_space<hbm>> -> memref<256x128xf32, #tpu.memory_space<hbm>>
        %dma_wait3A_129 = arith.constant 0 : i32
        %dma_wait3A_130 = arith.constant 0 : i32
        %dma_wait3A_131 = tpu.memref_slice %arg8[%dma_wait3A, %dma_wait3A_129, %dma_wait3A_130] : memref<2x256x128xf32, #tpu.memory_space<vmem>> -> memref<1x256x128xf32, #tpu.memory_space<vmem>>
        %dma_wait3A_132 = tpu.memref_squeeze %dma_wait3A_131 : memref<1x256x128xf32, #tpu.memory_space<vmem>> -> memref<256x128xf32, #tpu.memory_space<vmem>>
        %dma_wait3A_133 = arith.constant 0 : i32
        %dma_wait3A_134 = arith.constant 0 : i32
        %dma_wait3A_135 = tpu.memref_slice %arg2[%dma_wait3A_133, %dma_wait3A_134] : memref<320000x128xf32, #tpu.memory_space<hbm>> -> memref<256x128xf32, #tpu.memory_space<hbm>>
        tpu.wait_dma2 semaphore(%arg12 : memref<!tpu.dma_semaphore, #tpu.memory_space<semaphore_mem>>) src(%dma_wait3A_135 : memref<256x128xf32, #tpu.memory_space<hbm>>) dst(%dma_wait3A_132 : memref<256x128xf32, #tpu.memory_space<vmem>>)
        %dma_wait3A_136 = arith.constant 0 : i32
        %dma_wait3A_137 = arith.constant 0 : i32
        %dma_wait3A_138 = arith.constant 0 : i32
        %dma_wait3A_139 = tpu.memref_slice %arg9[%dma_wait3A_136, %dma_wait3A_137, %dma_wait3A_138] : memref<2x2x128xi32, #tpu.memory_space<vmem>> -> memref<1x1x128xi32, #tpu.memory_space<vmem>>
        %dma_wait3A_140 = tpu.memref_squeeze %dma_wait3A_139 : memref<1x1x128xi32, #tpu.memory_space<vmem>> -> memref<128xi32, #tpu.memory_space<vmem>>
        %dma_wait3A_141 = arith.constant 0 : i32
        %dma_wait3A_142 = tpu.memref_slice %arg3[%dma_wait3A_141] : memref<640000xi32, #tpu.memory_space<hbm>> -> memref<128xi32, #tpu.memory_space<hbm>>
        %dma_wait3A_143 = arith.constant 0 : i32
        %dma_wait3A_144 = tpu.memref_slice %arg9[%dma_wait3A_136, %dma_wait3A_137, %dma_wait3A_143] : memref<2x2x128xi32, #tpu.memory_space<vmem>> -> memref<1x1x128xi32, #tpu.memory_space<vmem>>
        %dma_wait3A_145 = tpu.memref_squeeze %dma_wait3A_144 : memref<1x1x128xi32, #tpu.memory_space<vmem>> -> memref<128xi32, #tpu.memory_space<vmem>>
        %dma_wait3A_146 = arith.constant 0 : i32
        %dma_wait3A_147 = tpu.memref_slice %arg3[%dma_wait3A_146] : memref<640000xi32, #tpu.memory_space<hbm>> -> memref<128xi32, #tpu.memory_space<hbm>>
        tpu.wait_dma2 semaphore(%arg12 : memref<!tpu.dma_semaphore, #tpu.memory_space<semaphore_mem>>) src(%dma_wait3A_147 : memref<128xi32, #tpu.memory_space<hbm>>) dst(%dma_wait3A_145 : memref<128xi32, #tpu.memory_space<vmem>>)
        %dma_wait3A_148 = arith.constant 0 : i32
        %dma_wait3A_149 = arith.constant 1 : i32
        %dma_wait3A_150 = arith.constant 0 : i32
        %dma_wait3A_151 = tpu.memref_slice %arg9[%dma_wait3A_148, %dma_wait3A_149, %dma_wait3A_150] : memref<2x2x128xi32, #tpu.memory_space<vmem>> -> memref<1x1x128xi32, #tpu.memory_space<vmem>>
        %dma_wait3A_152 = tpu.memref_squeeze %dma_wait3A_151 : memref<1x1x128xi32, #tpu.memory_space<vmem>> -> memref<128xi32, #tpu.memory_space<vmem>>
        %dma_wait3A_153 = arith.constant 0 : i32
        %dma_wait3A_154 = tpu.memref_slice %arg3[%dma_wait3A_153] : memref<640000xi32, #tpu.memory_space<hbm>> -> memref<128xi32, #tpu.memory_space<hbm>>
        %dma_wait3A_155 = arith.constant 0 : i32
        %dma_wait3A_156 = tpu.memref_slice %arg9[%dma_wait3A_148, %dma_wait3A_149, %dma_wait3A_155] : memref<2x2x128xi32, #tpu.memory_space<vmem>> -> memref<1x1x128xi32, #tpu.memory_space<vmem>>
        %dma_wait3A_157 = tpu.memref_squeeze %dma_wait3A_156 : memref<1x1x128xi32, #tpu.memory_space<vmem>> -> memref<128xi32, #tpu.memory_space<vmem>>
        %dma_wait3A_158 = arith.constant 0 : i32
        %dma_wait3A_159 = tpu.memref_slice %arg3[%dma_wait3A_158] : memref<640000xi32, #tpu.memory_space<hbm>> -> memref<128xi32, #tpu.memory_space<hbm>>
        tpu.wait_dma2 semaphore(%arg12 : memref<!tpu.dma_semaphore, #tpu.memory_space<semaphore_mem>>) src(%dma_wait3A_159 : memref<128xi32, #tpu.memory_space<hbm>>) dst(%dma_wait3A_157 : memref<128xi32, #tpu.memory_space<vmem>>)
        %ge3A = arith.constant 1 : i32
        %ge3A_160 = arith.cmpi sge, %add3A_109, %ge3A : i32
        %convert_element_type3A_161 = arith.extui %ge3A_160 : i1 to i32
        %cond3A_162 = arith.constant 0 : i32
        %cond3A_163 = arith.cmpi ne, %convert_element_type3A_161, %cond3A_162 : i32
        scf.if %cond3A_163 {
          %sub3A_195 = arith.constant 1 : i32
          %sub3A_196 = arith.subi %add3A_109, %sub3A_195 : i32
          %dma_wait3A_197 = arith.constant 1 : i32
          %dma_wait3A_198 = arith.constant 1 : i32
          %dma_wait3A_199 = arith.constant 0 : i32
          %dma_wait3A_200 = arith.constant 0 : i32
          %dma_wait3A_201 = arith.constant 0 : i32
          %dma_wait3A_202 = tpu.memref_slice %arg8[%dma_wait3A_197, %dma_wait3A_200, %dma_wait3A_201] : memref<2x256x128xf32, #tpu.memory_space<vmem>> -> memref<1x128x128xf32, #tpu.memory_space<vmem>>
          %dma_wait3A_203 = tpu.memref_squeeze %dma_wait3A_202 : memref<1x128x128xf32, #tpu.memory_space<vmem>> -> memref<128x128xf32, #tpu.memory_space<vmem>>
          %dma_wait3A_204 = arith.constant 0 : i32
          %dma_wait3A_205 = tpu.memref_slice %arg9[%dma_wait3A_198, %dma_wait3A_199, %dma_wait3A_204] : memref<2x2x128xi32, #tpu.memory_space<vmem>> -> memref<1x1x128xi32, #tpu.memory_space<vmem>>
          %dma_wait3A_206 = tpu.memref_squeeze %dma_wait3A_205 : memref<1x1x128xi32, #tpu.memory_space<vmem>> -> memref<128xi32, #tpu.memory_space<vmem>>
          %dma_wait3A_207 = arith.constant 0 : i32
          %dma_wait3A_208 = arith.constant 0 : i32
          %dma_wait3A_209 = tpu.memref_slice %arg11[%dma_wait3A_207, %dma_wait3A_208] : memref<5128x128xf32, #tpu.memory_space<vmem_shared>> -> memref<5128x128xf32, #tpu.memory_space<vmem_shared>>
          tpu.wait_indirect_dma semaphore(%arg15 : memref<!tpu.dma_semaphore, #tpu.memory_space<semaphore_mem>>) src(%dma_wait3A_203 : memref<128x128xf32, #tpu.memory_space<vmem>>) dst(%dma_wait3A_209 : memref<5128x128xf32, #tpu.memory_space<vmem_shared>>)
          %dma_wait3A_210 = arith.constant 1 : i32
          %dma_wait3A_211 = arith.constant 1 : i32
          %dma_wait3A_212 = arith.constant 1 : i32
          %dma_wait3A_213 = arith.constant 128 : i32
          %dma_wait3A_214 = arith.constant 0 : i32
          %dma_wait3A_215 = tpu.memref_slice %arg8[%dma_wait3A_210, %dma_wait3A_213, %dma_wait3A_214] : memref<2x256x128xf32, #tpu.memory_space<vmem>> -> memref<1x128x128xf32, #tpu.memory_space<vmem>>
          %dma_wait3A_216 = tpu.memref_squeeze %dma_wait3A_215 : memref<1x128x128xf32, #tpu.memory_space<vmem>> -> memref<128x128xf32, #tpu.memory_space<vmem>>
          %dma_wait3A_217 = arith.constant 0 : i32
          %dma_wait3A_218 = tpu.memref_slice %arg9[%dma_wait3A_211, %dma_wait3A_212, %dma_wait3A_217] : memref<2x2x128xi32, #tpu.memory_space<vmem>> -> memref<1x1x128xi32, #tpu.memory_space<vmem>>
          %dma_wait3A_219 = tpu.memref_squeeze %dma_wait3A_218 : memref<1x1x128xi32, #tpu.memory_space<vmem>> -> memref<128xi32, #tpu.memory_space<vmem>>
          %dma_wait3A_220 = arith.constant 0 : i32
          %dma_wait3A_221 = arith.constant 0 : i32
          %dma_wait3A_222 = tpu.memref_slice %arg11[%dma_wait3A_220, %dma_wait3A_221] : memref<5128x128xf32, #tpu.memory_space<vmem_shared>> -> memref<5128x128xf32, #tpu.memory_space<vmem_shared>>
          tpu.wait_indirect_dma semaphore(%arg15 : memref<!tpu.dma_semaphore, #tpu.memory_space<semaphore_mem>>) src(%dma_wait3A_216 : memref<128x128xf32, #tpu.memory_space<vmem>>) dst(%dma_wait3A_222 : memref<5128x128xf32, #tpu.memory_space<vmem_shared>>)
        } else {
        }
        %add3A_164 = arith.constant 1 : i32
        %add3A_165 = arith.addi %add3A_109, %add3A_164 : i32
        %lt3A_166 = arith.cmpi slt, %add3A_165, %min3A : i32
        %convert_element_type3A_167 = arith.extui %lt3A_166 : i1 to i32
        %cond3A_168 = arith.constant 0 : i32
        %cond3A_169 = arith.cmpi ne, %convert_element_type3A_167, %cond3A_168 : i32
        scf.if %cond3A_169 {
          %add3A_195 = arith.constant 1 : i32
          %add3A_196 = arith.addi %add3A_109, %add3A_195 : i32
          %add3A_197 = arith.addi %add3A_38, %add3A_196 : i32
          %mul3A_198 = arith.constant 256 : i32
          %mul3A_199 = arith.muli %add3A_197, %mul3A_198 : i32
          %dma_start3A_200 = arith.constant 1 : i32
          %dma_start3A_201 = arith.constant 0 : i32
          %dma_start3A_202 = arith.constant 0 : i32
          %dma_start3A_203 = tpu.memref_slice %arg8[%dma_start3A_200, %dma_start3A_201, %dma_start3A_202] : memref<2x256x128xf32, #tpu.memory_space<vmem>> -> memref<1x256x128xf32, #tpu.memory_space<vmem>>
          %dma_start3A_204 = tpu.memref_squeeze %dma_start3A_203 : memref<1x256x128xf32, #tpu.memory_space<vmem>> -> memref<256x128xf32, #tpu.memory_space<vmem>>
          %dma_start3A_205 = arith.constant 0 : i32
          %dma_start3A_206 = tpu.memref_slice %arg2[%mul3A_199, %dma_start3A_205] : memref<320000x128xf32, #tpu.memory_space<hbm>> -> memref<256x128xf32, #tpu.memory_space<hbm>>
          %dma_start3A_207 = arith.constant 0 : i32
          %dma_start3A_208 = arith.constant 0 : i32
          %dma_start3A_209 = tpu.memref_slice %arg8[%dma_start3A_200, %dma_start3A_207, %dma_start3A_208] : memref<2x256x128xf32, #tpu.memory_space<vmem>> -> memref<1x256x128xf32, #tpu.memory_space<vmem>>
          %dma_start3A_210 = tpu.memref_squeeze %dma_start3A_209 : memref<1x256x128xf32, #tpu.memory_space<vmem>> -> memref<256x128xf32, #tpu.memory_space<vmem>>
          %dma_start3A_211 = arith.constant 0 : i32
          %dma_start3A_212 = tpu.memref_slice %arg2[%mul3A_199, %dma_start3A_211] : memref<320000x128xf32, #tpu.memory_space<hbm>> -> memref<256x128xf32, #tpu.memory_space<hbm>>
          tpu.enqueue_dma source(%dma_start3A_212 : memref<256x128xf32, #tpu.memory_space<hbm>>) target(%dma_start3A_210 : memref<256x128xf32, #tpu.memory_space<vmem>>) target_semaphore(%arg13 : memref<!tpu.dma_semaphore, #tpu.memory_space<semaphore_mem>>)
          %mul3A_213 = arith.constant 320000 : i32
          %mul3A_214 = arith.muli %arg0, %mul3A_213 : i32
          %mul3A_215 = arith.constant 256 : i32
          %mul3A_216 = arith.muli %add3A_197, %mul3A_215 : i32
          %add3A_217 = arith.addi %mul3A_214, %mul3A_216 : i32
          %add3A_218 = arith.constant 0 : i32
          %add3A_219 = arith.addi %add3A_217, %add3A_218 : i32
          %dma_start3A_220 = arith.constant 1 : i32
          %dma_start3A_221 = arith.constant 0 : i32
          %dma_start3A_222 = arith.constant 0 : i32
          %dma_start3A_223 = tpu.memref_slice %arg9[%dma_start3A_220, %dma_start3A_221, %dma_start3A_222] : memref<2x2x128xi32, #tpu.memory_space<vmem>> -> memref<1x1x128xi32, #tpu.memory_space<vmem>>
          %dma_start3A_224 = tpu.memref_squeeze %dma_start3A_223 : memref<1x1x128xi32, #tpu.memory_space<vmem>> -> memref<128xi32, #tpu.memory_space<vmem>>
          %dma_start3A_225 = tpu.memref_slice %arg3[%add3A_219] : memref<640000xi32, #tpu.memory_space<hbm>> -> memref<128xi32, #tpu.memory_space<hbm>>
          %dma_start3A_226 = arith.constant 0 : i32
          %dma_start3A_227 = tpu.memref_slice %arg9[%dma_start3A_220, %dma_start3A_221, %dma_start3A_226] : memref<2x2x128xi32, #tpu.memory_space<vmem>> -> memref<1x1x128xi32, #tpu.memory_space<vmem>>
          %dma_start3A_228 = tpu.memref_squeeze %dma_start3A_227 : memref<1x1x128xi32, #tpu.memory_space<vmem>> -> memref<128xi32, #tpu.memory_space<vmem>>
          %dma_start3A_229 = tpu.memref_slice %arg3[%add3A_219] : memref<640000xi32, #tpu.memory_space<hbm>> -> memref<128xi32, #tpu.memory_space<hbm>>
          tpu.enqueue_dma source(%dma_start3A_229 : memref<128xi32, #tpu.memory_space<hbm>>) target(%dma_start3A_228 : memref<128xi32, #tpu.memory_space<vmem>>) target_semaphore(%arg13 : memref<!tpu.dma_semaphore, #tpu.memory_space<semaphore_mem>>)
          %mul3A_230 = arith.constant 320000 : i32
          %mul3A_231 = arith.muli %arg0, %mul3A_230 : i32
          %mul3A_232 = arith.constant 256 : i32
          %mul3A_233 = arith.muli %add3A_197, %mul3A_232 : i32
          %add3A_234 = arith.addi %mul3A_231, %mul3A_233 : i32
          %add3A_235 = arith.constant 128 : i32
          %add3A_236 = arith.addi %add3A_234, %add3A_235 : i32
          %dma_start3A_237 = arith.constant 1 : i32
          %dma_start3A_238 = arith.constant 1 : i32
          %dma_start3A_239 = arith.constant 0 : i32
          %dma_start3A_240 = tpu.memref_slice %arg9[%dma_start3A_237, %dma_start3A_238, %dma_start3A_239] : memref<2x2x128xi32, #tpu.memory_space<vmem>> -> memref<1x1x128xi32, #tpu.memory_space<vmem>>
          %dma_start3A_241 = tpu.memref_squeeze %dma_start3A_240 : memref<1x1x128xi32, #tpu.memory_space<vmem>> -> memref<128xi32, #tpu.memory_space<vmem>>
          %dma_start3A_242 = tpu.memref_slice %arg3[%add3A_236] : memref<640000xi32, #tpu.memory_space<hbm>> -> memref<128xi32, #tpu.memory_space<hbm>>
          %dma_start3A_243 = arith.constant 0 : i32
          %dma_start3A_244 = tpu.memref_slice %arg9[%dma_start3A_237, %dma_start3A_238, %dma_start3A_243] : memref<2x2x128xi32, #tpu.memory_space<vmem>> -> memref<1x1x128xi32, #tpu.memory_space<vmem>>
          %dma_start3A_245 = tpu.memref_squeeze %dma_start3A_244 : memref<1x1x128xi32, #tpu.memory_space<vmem>> -> memref<128xi32, #tpu.memory_space<vmem>>
          %dma_start3A_246 = tpu.memref_slice %arg3[%add3A_236] : memref<640000xi32, #tpu.memory_space<hbm>> -> memref<128xi32, #tpu.memory_space<hbm>>
          tpu.enqueue_dma source(%dma_start3A_246 : memref<128xi32, #tpu.memory_space<hbm>>) target(%dma_start3A_245 : memref<128xi32, #tpu.memory_space<vmem>>) target_semaphore(%arg13 : memref<!tpu.dma_semaphore, #tpu.memory_space<semaphore_mem>>)
        } else {
        }
        %dma_start3A = arith.constant 0 : i32
        %dma_start3A_170 = arith.constant 0 : i32
        %dma_start3A_171 = arith.constant 0 : i32
        %dma_start3A_172 = arith.constant 0 : i32
        %dma_start3A_173 = arith.constant 0 : i32
        %dma_start3A_174 = tpu.memref_slice %arg8[%dma_start3A, %dma_start3A_172, %dma_start3A_173] : memref<2x256x128xf32, #tpu.memory_space<vmem>> -> memref<1x128x128xf32, #tpu.memory_space<vmem>>
        %dma_start3A_175 = tpu.memref_squeeze %dma_start3A_174 : memref<1x128x128xf32, #tpu.memory_space<vmem>> -> memref<128x128xf32, #tpu.memory_space<vmem>>
        %dma_start3A_176 = arith.constant 0 : i32
        %dma_start3A_177 = tpu.memref_slice %arg9[%dma_start3A_170, %dma_start3A_171, %dma_start3A_176] : memref<2x2x128xi32, #tpu.memory_space<vmem>> -> memref<1x1x128xi32, #tpu.memory_space<vmem>>
        %dma_start3A_178 = tpu.memref_squeeze %dma_start3A_177 : memref<1x1x128xi32, #tpu.memory_space<vmem>> -> memref<128xi32, #tpu.memory_space<vmem>>
        %dma_start3A_179 = arith.constant 0 : i32
        %dma_start3A_180 = arith.constant 0 : i32
        %dma_start3A_181 = tpu.memref_slice %arg11[%dma_start3A_179, %dma_start3A_180] : memref<5128x128xf32, #tpu.memory_space<vmem_shared>> -> memref<5128x128xf32, #tpu.memory_space<vmem_shared>>
        tpu.enqueue_indirect_dma source(%dma_start3A_175 : memref<128x128xf32, #tpu.memory_space<vmem>>) target(%dma_start3A_181 : memref<5128x128xf32, #tpu.memory_space<vmem_shared>>) offsets(%dma_start3A_178 : memref<128xi32, #tpu.memory_space<vmem>>) semaphore(%arg14 : memref<!tpu.dma_semaphore, #tpu.memory_space<semaphore_mem>>) {add = true}
        %dma_start3A_182 = arith.constant 0 : i32
        %dma_start3A_183 = arith.constant 0 : i32
        %dma_start3A_184 = arith.constant 1 : i32
        %dma_start3A_185 = arith.constant 128 : i32
        %dma_start3A_186 = arith.constant 0 : i32
        %dma_start3A_187 = tpu.memref_slice %arg8[%dma_start3A_182, %dma_start3A_185, %dma_start3A_186] : memref<2x256x128xf32, #tpu.memory_space<vmem>> -> memref<1x128x128xf32, #tpu.memory_space<vmem>>
        %dma_start3A_188 = tpu.memref_squeeze %dma_start3A_187 : memref<1x128x128xf32, #tpu.memory_space<vmem>> -> memref<128x128xf32, #tpu.memory_space<vmem>>
        %dma_start3A_189 = arith.constant 0 : i32
        %dma_start3A_190 = tpu.memref_slice %arg9[%dma_start3A_183, %dma_start3A_184, %dma_start3A_189] : memref<2x2x128xi32, #tpu.memory_space<vmem>> -> memref<1x1x128xi32, #tpu.memory_space<vmem>>
        %dma_start3A_191 = tpu.memref_squeeze %dma_start3A_190 : memref<1x1x128xi32, #tpu.memory_space<vmem>> -> memref<128xi32, #tpu.memory_space<vmem>>
        %dma_start3A_192 = arith.constant 0 : i32
        %dma_start3A_193 = arith.constant 0 : i32
        %dma_start3A_194 = tpu.memref_slice %arg11[%dma_start3A_192, %dma_start3A_193] : memref<5128x128xf32, #tpu.memory_space<vmem_shared>> -> memref<5128x128xf32, #tpu.memory_space<vmem_shared>>
        tpu.enqueue_indirect_dma source(%dma_start3A_188 : memref<128x128xf32, #tpu.memory_space<vmem>>) target(%dma_start3A_194 : memref<5128x128xf32, #tpu.memory_space<vmem_shared>>) offsets(%dma_start3A_191 : memref<128xi32, #tpu.memory_space<vmem>>) semaphore(%arg14 : memref<!tpu.dma_semaphore, #tpu.memory_space<semaphore_mem>>) {add = true}
      } else {
      }
      %mul3A_114 = arith.constant 2 : i32
      %mul3A_115 = arith.muli %while3A_105, %mul3A_114 : i32
      %add3A_116 = arith.constant 1 : i32
      %add3A_117 = arith.addi %mul3A_115, %add3A_116 : i32
      %lt3A_118 = arith.cmpi slt, %add3A_117, %min3A : i32
      %convert_element_type3A_119 = arith.extui %lt3A_118 : i1 to i32
      %cond3A_120 = arith.constant 0 : i32
      %cond3A_121 = arith.cmpi ne, %convert_element_type3A_119, %cond3A_120 : i32
      scf.if %cond3A_121 {
        %dma_wait3A = arith.constant 1 : i32
        %dma_wait3A_122 = arith.constant 0 : i32
        %dma_wait3A_123 = arith.constant 0 : i32
        %dma_wait3A_124 = tpu.memref_slice %arg8[%dma_wait3A, %dma_wait3A_122, %dma_wait3A_123] : memref<2x256x128xf32, #tpu.memory_space<vmem>> -> memref<1x256x128xf32, #tpu.memory_space<vmem>>
        %dma_wait3A_125 = tpu.memref_squeeze %dma_wait3A_124 : memref<1x256x128xf32, #tpu.memory_space<vmem>> -> memref<256x128xf32, #tpu.memory_space<vmem>>
        %dma_wait3A_126 = arith.constant 0 : i32
        %dma_wait3A_127 = arith.constant 0 : i32
        %dma_wait3A_128 = tpu.memref_slice %arg2[%dma_wait3A_126, %dma_wait3A_127] : memref<320000x128xf32, #tpu.memory_space<hbm>> -> memref<256x128xf32, #tpu.memory_space<hbm>>
        %dma_wait3A_129 = arith.constant 0 : i32
        %dma_wait3A_130 = arith.constant 0 : i32
        %dma_wait3A_131 = tpu.memref_slice %arg8[%dma_wait3A, %dma_wait3A_129, %dma_wait3A_130] : memref<2x256x128xf32, #tpu.memory_space<vmem>> -> memref<1x256x128xf32, #tpu.memory_space<vmem>>
        %dma_wait3A_132 = tpu.memref_squeeze %dma_wait3A_131 : memref<1x256x128xf32, #tpu.memory_space<vmem>> -> memref<256x128xf32, #tpu.memory_space<vmem>>
        %dma_wait3A_133 = arith.constant 0 : i32
        %dma_wait3A_134 = arith.constant 0 : i32
        %dma_wait3A_135 = tpu.memref_slice %arg2[%dma_wait3A_133, %dma_wait3A_134] : memref<320000x128xf32, #tpu.memory_space<hbm>> -> memref<256x128xf32, #tpu.memory_space<hbm>>
        tpu.wait_dma2 semaphore(%arg13 : memref<!tpu.dma_semaphore, #tpu.memory_space<semaphore_mem>>) src(%dma_wait3A_135 : memref<256x128xf32, #tpu.memory_space<hbm>>) dst(%dma_wait3A_132 : memref<256x128xf32, #tpu.memory_space<vmem>>)
        %dma_wait3A_136 = arith.constant 1 : i32
        %dma_wait3A_137 = arith.constant 0 : i32
        %dma_wait3A_138 = arith.constant 0 : i32
        %dma_wait3A_139 = tpu.memref_slice %arg9[%dma_wait3A_136, %dma_wait3A_137, %dma_wait3A_138] : memref<2x2x128xi32, #tpu.memory_space<vmem>> -> memref<1x1x128xi32, #tpu.memory_space<vmem>>
        %dma_wait3A_140 = tpu.memref_squeeze %dma_wait3A_139 : memref<1x1x128xi32, #tpu.memory_space<vmem>> -> memref<128xi32, #tpu.memory_space<vmem>>
        %dma_wait3A_141 = arith.constant 0 : i32
        %dma_wait3A_142 = tpu.memref_slice %arg3[%dma_wait3A_141] : memref<640000xi32, #tpu.memory_space<hbm>> -> memref<128xi32, #tpu.memory_space<hbm>>
        %dma_wait3A_143 = arith.constant 0 : i32
        %dma_wait3A_144 = tpu.memref_slice %arg9[%dma_wait3A_136, %dma_wait3A_137, %dma_wait3A_143] : memref<2x2x128xi32, #tpu.memory_space<vmem>> -> memref<1x1x128xi32, #tpu.memory_space<vmem>>
        %dma_wait3A_145 = tpu.memref_squeeze %dma_wait3A_144 : memref<1x1x128xi32, #tpu.memory_space<vmem>> -> memref<128xi32, #tpu.memory_space<vmem>>
        %dma_wait3A_146 = arith.constant 0 : i32
        %dma_wait3A_147 = tpu.memref_slice %arg3[%dma_wait3A_146] : memref<640000xi32, #tpu.memory_space<hbm>> -> memref<128xi32, #tpu.memory_space<hbm>>
        tpu.wait_dma2 semaphore(%arg13 : memref<!tpu.dma_semaphore, #tpu.memory_space<semaphore_mem>>) src(%dma_wait3A_147 : memref<128xi32, #tpu.memory_space<hbm>>) dst(%dma_wait3A_145 : memref<128xi32, #tpu.memory_space<vmem>>)
        %dma_wait3A_148 = arith.constant 1 : i32
        %dma_wait3A_149 = arith.constant 1 : i32
        %dma_wait3A_150 = arith.constant 0 : i32
        %dma_wait3A_151 = tpu.memref_slice %arg9[%dma_wait3A_148, %dma_wait3A_149, %dma_wait3A_150] : memref<2x2x128xi32, #tpu.memory_space<vmem>> -> memref<1x1x128xi32, #tpu.memory_space<vmem>>
        %dma_wait3A_152 = tpu.memref_squeeze %dma_wait3A_151 : memref<1x1x128xi32, #tpu.memory_space<vmem>> -> memref<128xi32, #tpu.memory_space<vmem>>
        %dma_wait3A_153 = arith.constant 0 : i32
        %dma_wait3A_154 = tpu.memref_slice %arg3[%dma_wait3A_153] : memref<640000xi32, #tpu.memory_space<hbm>> -> memref<128xi32, #tpu.memory_space<hbm>>
        %dma_wait3A_155 = arith.constant 0 : i32
        %dma_wait3A_156 = tpu.memref_slice %arg9[%dma_wait3A_148, %dma_wait3A_149, %dma_wait3A_155] : memref<2x2x128xi32, #tpu.memory_space<vmem>> -> memref<1x1x128xi32, #tpu.memory_space<vmem>>
        %dma_wait3A_157 = tpu.memref_squeeze %dma_wait3A_156 : memref<1x1x128xi32, #tpu.memory_space<vmem>> -> memref<128xi32, #tpu.memory_space<vmem>>
        %dma_wait3A_158 = arith.constant 0 : i32
        %dma_wait3A_159 = tpu.memref_slice %arg3[%dma_wait3A_158] : memref<640000xi32, #tpu.memory_space<hbm>> -> memref<128xi32, #tpu.memory_space<hbm>>
        tpu.wait_dma2 semaphore(%arg13 : memref<!tpu.dma_semaphore, #tpu.memory_space<semaphore_mem>>) src(%dma_wait3A_159 : memref<128xi32, #tpu.memory_space<hbm>>) dst(%dma_wait3A_157 : memref<128xi32, #tpu.memory_space<vmem>>)
        %ge3A = arith.constant 1 : i32
        %ge3A_160 = arith.cmpi sge, %add3A_117, %ge3A : i32
        %convert_element_type3A_161 = arith.extui %ge3A_160 : i1 to i32
        %cond3A_162 = arith.constant 0 : i32
        %cond3A_163 = arith.cmpi ne, %convert_element_type3A_161, %cond3A_162 : i32
        scf.if %cond3A_163 {
          %sub3A_195 = arith.constant 1 : i32
          %sub3A_196 = arith.subi %add3A_117, %sub3A_195 : i32
          %dma_wait3A_197 = arith.constant 0 : i32
          %dma_wait3A_198 = arith.constant 0 : i32
          %dma_wait3A_199 = arith.constant 0 : i32
          %dma_wait3A_200 = arith.constant 0 : i32
          %dma_wait3A_201 = arith.constant 0 : i32
          %dma_wait3A_202 = tpu.memref_slice %arg8[%dma_wait3A_197, %dma_wait3A_200, %dma_wait3A_201] : memref<2x256x128xf32, #tpu.memory_space<vmem>> -> memref<1x128x128xf32, #tpu.memory_space<vmem>>
          %dma_wait3A_203 = tpu.memref_squeeze %dma_wait3A_202 : memref<1x128x128xf32, #tpu.memory_space<vmem>> -> memref<128x128xf32, #tpu.memory_space<vmem>>
          %dma_wait3A_204 = arith.constant 0 : i32
          %dma_wait3A_205 = tpu.memref_slice %arg9[%dma_wait3A_198, %dma_wait3A_199, %dma_wait3A_204] : memref<2x2x128xi32, #tpu.memory_space<vmem>> -> memref<1x1x128xi32, #tpu.memory_space<vmem>>
          %dma_wait3A_206 = tpu.memref_squeeze %dma_wait3A_205 : memref<1x1x128xi32, #tpu.memory_space<vmem>> -> memref<128xi32, #tpu.memory_space<vmem>>
          %dma_wait3A_207 = arith.constant 0 : i32
          %dma_wait3A_208 = arith.constant 0 : i32
          %dma_wait3A_209 = tpu.memref_slice %arg11[%dma_wait3A_207, %dma_wait3A_208] : memref<5128x128xf32, #tpu.memory_space<vmem_shared>> -> memref<5128x128xf32, #tpu.memory_space<vmem_shared>>
          tpu.wait_indirect_dma semaphore(%arg14 : memref<!tpu.dma_semaphore, #tpu.memory_space<semaphore_mem>>) src(%dma_wait3A_203 : memref<128x128xf32, #tpu.memory_space<vmem>>) dst(%dma_wait3A_209 : memref<5128x128xf32, #tpu.memory_space<vmem_shared>>)
          %dma_wait3A_210 = arith.constant 0 : i32
          %dma_wait3A_211 = arith.constant 0 : i32
          %dma_wait3A_212 = arith.constant 1 : i32
          %dma_wait3A_213 = arith.constant 128 : i32
          %dma_wait3A_214 = arith.constant 0 : i32
          %dma_wait3A_215 = tpu.memref_slice %arg8[%dma_wait3A_210, %dma_wait3A_213, %dma_wait3A_214] : memref<2x256x128xf32, #tpu.memory_space<vmem>> -> memref<1x128x128xf32, #tpu.memory_space<vmem>>
          %dma_wait3A_216 = tpu.memref_squeeze %dma_wait3A_215 : memref<1x128x128xf32, #tpu.memory_space<vmem>> -> memref<128x128xf32, #tpu.memory_space<vmem>>
          %dma_wait3A_217 = arith.constant 0 : i32
          %dma_wait3A_218 = tpu.memref_slice %arg9[%dma_wait3A_211, %dma_wait3A_212, %dma_wait3A_217] : memref<2x2x128xi32, #tpu.memory_space<vmem>> -> memref<1x1x128xi32, #tpu.memory_space<vmem>>
          %dma_wait3A_219 = tpu.memref_squeeze %dma_wait3A_218 : memref<1x1x128xi32, #tpu.memory_space<vmem>> -> memref<128xi32, #tpu.memory_space<vmem>>
          %dma_wait3A_220 = arith.constant 0 : i32
          %dma_wait3A_221 = arith.constant 0 : i32
          %dma_wait3A_222 = tpu.memref_slice %arg11[%dma_wait3A_220, %dma_wait3A_221] : memref<5128x128xf32, #tpu.memory_space<vmem_shared>> -> memref<5128x128xf32, #tpu.memory_space<vmem_shared>>
          tpu.wait_indirect_dma semaphore(%arg14 : memref<!tpu.dma_semaphore, #tpu.memory_space<semaphore_mem>>) src(%dma_wait3A_216 : memref<128x128xf32, #tpu.memory_space<vmem>>) dst(%dma_wait3A_222 : memref<5128x128xf32, #tpu.memory_space<vmem_shared>>)
        } else {
        }
        %add3A_164 = arith.constant 1 : i32
        %add3A_165 = arith.addi %add3A_117, %add3A_164 : i32
        %lt3A_166 = arith.cmpi slt, %add3A_165, %min3A : i32
        %convert_element_type3A_167 = arith.extui %lt3A_166 : i1 to i32
        %cond3A_168 = arith.constant 0 : i32
        %cond3A_169 = arith.cmpi ne, %convert_element_type3A_167, %cond3A_168 : i32
        scf.if %cond3A_169 {
          %add3A_195 = arith.constant 1 : i32
          %add3A_196 = arith.addi %add3A_117, %add3A_195 : i32
          %add3A_197 = arith.addi %add3A_38, %add3A_196 : i32
          %mul3A_198 = arith.constant 256 : i32
          %mul3A_199 = arith.muli %add3A_197, %mul3A_198 : i32
          %dma_start3A_200 = arith.constant 0 : i32
          %dma_start3A_201 = arith.constant 0 : i32
          %dma_start3A_202 = arith.constant 0 : i32
          %dma_start3A_203 = tpu.memref_slice %arg8[%dma_start3A_200, %dma_start3A_201, %dma_start3A_202] : memref<2x256x128xf32, #tpu.memory_space<vmem>> -> memref<1x256x128xf32, #tpu.memory_space<vmem>>
          %dma_start3A_204 = tpu.memref_squeeze %dma_start3A_203 : memref<1x256x128xf32, #tpu.memory_space<vmem>> -> memref<256x128xf32, #tpu.memory_space<vmem>>
          %dma_start3A_205 = arith.constant 0 : i32
          %dma_start3A_206 = tpu.memref_slice %arg2[%mul3A_199, %dma_start3A_205] : memref<320000x128xf32, #tpu.memory_space<hbm>> -> memref<256x128xf32, #tpu.memory_space<hbm>>
          %dma_start3A_207 = arith.constant 0 : i32
          %dma_start3A_208 = arith.constant 0 : i32
          %dma_start3A_209 = tpu.memref_slice %arg8[%dma_start3A_200, %dma_start3A_207, %dma_start3A_208] : memref<2x256x128xf32, #tpu.memory_space<vmem>> -> memref<1x256x128xf32, #tpu.memory_space<vmem>>
          %dma_start3A_210 = tpu.memref_squeeze %dma_start3A_209 : memref<1x256x128xf32, #tpu.memory_space<vmem>> -> memref<256x128xf32, #tpu.memory_space<vmem>>
          %dma_start3A_211 = arith.constant 0 : i32
          %dma_start3A_212 = tpu.memref_slice %arg2[%mul3A_199, %dma_start3A_211] : memref<320000x128xf32, #tpu.memory_space<hbm>> -> memref<256x128xf32, #tpu.memory_space<hbm>>
          tpu.enqueue_dma source(%dma_start3A_212 : memref<256x128xf32, #tpu.memory_space<hbm>>) target(%dma_start3A_210 : memref<256x128xf32, #tpu.memory_space<vmem>>) target_semaphore(%arg12 : memref<!tpu.dma_semaphore, #tpu.memory_space<semaphore_mem>>)
          %mul3A_213 = arith.constant 320000 : i32
          %mul3A_214 = arith.muli %arg0, %mul3A_213 : i32
          %mul3A_215 = arith.constant 256 : i32
          %mul3A_216 = arith.muli %add3A_197, %mul3A_215 : i32
          %add3A_217 = arith.addi %mul3A_214, %mul3A_216 : i32
          %add3A_218 = arith.constant 0 : i32
          %add3A_219 = arith.addi %add3A_217, %add3A_218 : i32
          %dma_start3A_220 = arith.constant 0 : i32
          %dma_start3A_221 = arith.constant 0 : i32
          %dma_start3A_222 = arith.constant 0 : i32
          %dma_start3A_223 = tpu.memref_slice %arg9[%dma_start3A_220, %dma_start3A_221, %dma_start3A_222] : memref<2x2x128xi32, #tpu.memory_space<vmem>> -> memref<1x1x128xi32, #tpu.memory_space<vmem>>
          %dma_start3A_224 = tpu.memref_squeeze %dma_start3A_223 : memref<1x1x128xi32, #tpu.memory_space<vmem>> -> memref<128xi32, #tpu.memory_space<vmem>>
          %dma_start3A_225 = tpu.memref_slice %arg3[%add3A_219] : memref<640000xi32, #tpu.memory_space<hbm>> -> memref<128xi32, #tpu.memory_space<hbm>>
          %dma_start3A_226 = arith.constant 0 : i32
          %dma_start3A_227 = tpu.memref_slice %arg9[%dma_start3A_220, %dma_start3A_221, %dma_start3A_226] : memref<2x2x128xi32, #tpu.memory_space<vmem>> -> memref<1x1x128xi32, #tpu.memory_space<vmem>>
          %dma_start3A_228 = tpu.memref_squeeze %dma_start3A_227 : memref<1x1x128xi32, #tpu.memory_space<vmem>> -> memref<128xi32, #tpu.memory_space<vmem>>
          %dma_start3A_229 = tpu.memref_slice %arg3[%add3A_219] : memref<640000xi32, #tpu.memory_space<hbm>> -> memref<128xi32, #tpu.memory_space<hbm>>
          tpu.enqueue_dma source(%dma_start3A_229 : memref<128xi32, #tpu.memory_space<hbm>>) target(%dma_start3A_228 : memref<128xi32, #tpu.memory_space<vmem>>) target_semaphore(%arg12 : memref<!tpu.dma_semaphore, #tpu.memory_space<semaphore_mem>>)
          %mul3A_230 = arith.constant 320000 : i32
          %mul3A_231 = arith.muli %arg0, %mul3A_230 : i32
          %mul3A_232 = arith.constant 256 : i32
          %mul3A_233 = arith.muli %add3A_197, %mul3A_232 : i32
          %add3A_234 = arith.addi %mul3A_231, %mul3A_233 : i32
          %add3A_235 = arith.constant 128 : i32
          %add3A_236 = arith.addi %add3A_234, %add3A_235 : i32
          %dma_start3A_237 = arith.constant 0 : i32
          %dma_start3A_238 = arith.constant 1 : i32
          %dma_start3A_239 = arith.constant 0 : i32
          %dma_start3A_240 = tpu.memref_slice %arg9[%dma_start3A_237, %dma_start3A_238, %dma_start3A_239] : memref<2x2x128xi32, #tpu.memory_space<vmem>> -> memref<1x1x128xi32, #tpu.memory_space<vmem>>
          %dma_start3A_241 = tpu.memref_squeeze %dma_start3A_240 : memref<1x1x128xi32, #tpu.memory_space<vmem>> -> memref<128xi32, #tpu.memory_space<vmem>>
          %dma_start3A_242 = tpu.memref_slice %arg3[%add3A_236] : memref<640000xi32, #tpu.memory_space<hbm>> -> memref<128xi32, #tpu.memory_space<hbm>>
          %dma_start3A_243 = arith.constant 0 : i32
          %dma_start3A_244 = tpu.memref_slice %arg9[%dma_start3A_237, %dma_start3A_238, %dma_start3A_243] : memref<2x2x128xi32, #tpu.memory_space<vmem>> -> memref<1x1x128xi32, #tpu.memory_space<vmem>>
          %dma_start3A_245 = tpu.memref_squeeze %dma_start3A_244 : memref<1x1x128xi32, #tpu.memory_space<vmem>> -> memref<128xi32, #tpu.memory_space<vmem>>
          %dma_start3A_246 = tpu.memref_slice %arg3[%add3A_236] : memref<640000xi32, #tpu.memory_space<hbm>> -> memref<128xi32, #tpu.memory_space<hbm>>
          tpu.enqueue_dma source(%dma_start3A_246 : memref<128xi32, #tpu.memory_space<hbm>>) target(%dma_start3A_245 : memref<128xi32, #tpu.memory_space<vmem>>) target_semaphore(%arg12 : memref<!tpu.dma_semaphore, #tpu.memory_space<semaphore_mem>>)
        } else {
        }
        %dma_start3A = arith.constant 1 : i32
        %dma_start3A_170 = arith.constant 1 : i32
        %dma_start3A_171 = arith.constant 0 : i32
        %dma_start3A_172 = arith.constant 0 : i32
        %dma_start3A_173 = arith.constant 0 : i32
        %dma_start3A_174 = tpu.memref_slice %arg8[%dma_start3A, %dma_start3A_172, %dma_start3A_173] : memref<2x256x128xf32, #tpu.memory_space<vmem>> -> memref<1x128x128xf32, #tpu.memory_space<vmem>>
        %dma_start3A_175 = tpu.memref_squeeze %dma_start3A_174 : memref<1x128x128xf32, #tpu.memory_space<vmem>> -> memref<128x128xf32, #tpu.memory_space<vmem>>
        %dma_start3A_176 = arith.constant 0 : i32
        %dma_start3A_177 = tpu.memref_slice %arg9[%dma_start3A_170, %dma_start3A_171, %dma_start3A_176] : memref<2x2x128xi32, #tpu.memory_space<vmem>> -> memref<1x1x128xi32, #tpu.memory_space<vmem>>
        %dma_start3A_178 = tpu.memref_squeeze %dma_start3A_177 : memref<1x1x128xi32, #tpu.memory_space<vmem>> -> memref<128xi32, #tpu.memory_space<vmem>>
        %dma_start3A_179 = arith.constant 0 : i32
        %dma_start3A_180 = arith.constant 0 : i32
        %dma_start3A_181 = tpu.memref_slice %arg11[%dma_start3A_179, %dma_start3A_180] : memref<5128x128xf32, #tpu.memory_space<vmem_shared>> -> memref<5128x128xf32, #tpu.memory_space<vmem_shared>>
        tpu.enqueue_indirect_dma source(%dma_start3A_175 : memref<128x128xf32, #tpu.memory_space<vmem>>) target(%dma_start3A_181 : memref<5128x128xf32, #tpu.memory_space<vmem_shared>>) offsets(%dma_start3A_178 : memref<128xi32, #tpu.memory_space<vmem>>) semaphore(%arg15 : memref<!tpu.dma_semaphore, #tpu.memory_space<semaphore_mem>>) {add = true}
        %dma_start3A_182 = arith.constant 1 : i32
        %dma_start3A_183 = arith.constant 1 : i32
        %dma_start3A_184 = arith.constant 1 : i32
        %dma_start3A_185 = arith.constant 128 : i32
        %dma_start3A_186 = arith.constant 0 : i32
        %dma_start3A_187 = tpu.memref_slice %arg8[%dma_start3A_182, %dma_start3A_185, %dma_start3A_186] : memref<2x256x128xf32, #tpu.memory_space<vmem>> -> memref<1x128x128xf32, #tpu.memory_space<vmem>>
        %dma_start3A_188 = tpu.memref_squeeze %dma_start3A_187 : memref<1x128x128xf32, #tpu.memory_space<vmem>> -> memref<128x128xf32, #tpu.memory_space<vmem>>
        %dma_start3A_189 = arith.constant 0 : i32
        %dma_start3A_190 = tpu.memref_slice %arg9[%dma_start3A_183, %dma_start3A_184, %dma_start3A_189] : memref<2x2x128xi32, #tpu.memory_space<vmem>> -> memref<1x1x128xi32, #tpu.memory_space<vmem>>
        %dma_start3A_191 = tpu.memref_squeeze %dma_start3A_190 : memref<1x1x128xi32, #tpu.memory_space<vmem>> -> memref<128xi32, #tpu.memory_space<vmem>>
        %dma_start3A_192 = arith.constant 0 : i32
        %dma_start3A_193 = arith.constant 0 : i32
        %dma_start3A_194 = tpu.memref_slice %arg11[%dma_start3A_192, %dma_start3A_193] : memref<5128x128xf32, #tpu.memory_space<vmem_shared>> -> memref<5128x128xf32, #tpu.memory_space<vmem_shared>>
        tpu.enqueue_indirect_dma source(%dma_start3A_188 : memref<128x128xf32, #tpu.memory_space<vmem>>) target(%dma_start3A_194 : memref<5128x128xf32, #tpu.memory_space<vmem_shared>>) offsets(%dma_start3A_191 : memref<128xi32, #tpu.memory_space<vmem>>) semaphore(%arg15 : memref<!tpu.dma_semaphore, #tpu.memory_space<semaphore_mem>>) {add = true}
      } else {
      }
    }
    %sub3A_79 = arith.constant 1 : i32
    %sub3A_80 = arith.subi %min3A, %sub3A_79 : i32
    %jit3A_81 = arith.constant 2 : i32
    %eq3A_82 = arith.constant 0 : i32
    %eq3A_83 = arith.cmpi eq, %jit3A_81, %eq3A_82 : i32
    %jit3A_84 = arith.constant 1 : i32
    %select_n3A_85 = arith.select %eq3A_83, %jit3A_84, %jit3A_81 : i32
    %rem3A_86 = arith.remsi %sub3A_80, %select_n3A_85 : i32
    %ne3A_87 = arith.constant 0 : i32
    %ne3A_88 = arith.cmpi ne, %rem3A_86, %ne3A_87 : i32
    %lt3A = arith.constant 0 : i32
    %lt3A_89 = arith.cmpi slt, %rem3A_86, %lt3A : i32
    %lt3A_90 = arith.constant 0 : i32
    %lt3A_91 = arith.cmpi slt, %select_n3A_85, %lt3A_90 : i32
    %ne3A_92 = arith.xori %lt3A_89, %lt3A_91 : i1
    %and3A_93 = arith.andi %ne3A_92, %ne3A_88 : i1
    %add3A_94 = arith.addi %rem3A_86, %select_n3A_85 : i32
    %select_n3A_95 = arith.select %and3A_93, %add3A_94, %rem3A_86 : i32
    %gt3A_96 = arith.constant 0 : i32
    %gt3A_97 = arith.cmpi sgt, %min3A, %gt3A_96 : i32
    %convert_element_type3A_98 = arith.extui %gt3A_97 : i1 to i32
    %cond3A_99 = arith.constant 0 : i32
    %cond3A_100 = arith.cmpi ne, %convert_element_type3A_98, %cond3A_99 : i32
    scf.if %cond3A_100 {
      %eq3A_105 = arith.constant 0 : i32
      %eq3A_106 = arith.cmpi eq, %select_n3A_95, %eq3A_105 : i32
      %convert_element_type3A_107 = arith.extui %eq3A_106 : i1 to i32
      %cond3A_108 = arith.constant 0 : i32
      %cond3A_109 = arith.cmpi ne, %convert_element_type3A_107, %cond3A_108 : i32
      scf.if %cond3A_109 {
        %dma_wait3A = arith.constant 0 : i32
        %dma_wait3A_115 = arith.constant 0 : i32
        %dma_wait3A_116 = arith.constant 0 : i32
        %dma_wait3A_117 = arith.constant 0 : i32
        %dma_wait3A_118 = arith.constant 0 : i32
        %dma_wait3A_119 = tpu.memref_slice %arg8[%dma_wait3A, %dma_wait3A_117, %dma_wait3A_118] : memref<2x256x128xf32, #tpu.memory_space<vmem>> -> memref<1x128x128xf32, #tpu.memory_space<vmem>>
        %dma_wait3A_120 = tpu.memref_squeeze %dma_wait3A_119 : memref<1x128x128xf32, #tpu.memory_space<vmem>> -> memref<128x128xf32, #tpu.memory_space<vmem>>
        %dma_wait3A_121 = arith.constant 0 : i32
        %dma_wait3A_122 = tpu.memref_slice %arg9[%dma_wait3A_115, %dma_wait3A_116, %dma_wait3A_121] : memref<2x2x128xi32, #tpu.memory_space<vmem>> -> memref<1x1x128xi32, #tpu.memory_space<vmem>>
        %dma_wait3A_123 = tpu.memref_squeeze %dma_wait3A_122 : memref<1x1x128xi32, #tpu.memory_space<vmem>> -> memref<128xi32, #tpu.memory_space<vmem>>
        %dma_wait3A_124 = arith.constant 0 : i32
        %dma_wait3A_125 = arith.constant 0 : i32
        %dma_wait3A_126 = tpu.memref_slice %arg11[%dma_wait3A_124, %dma_wait3A_125] : memref<5128x128xf32, #tpu.memory_space<vmem_shared>> -> memref<5128x128xf32, #tpu.memory_space<vmem_shared>>
        tpu.wait_indirect_dma semaphore(%arg14 : memref<!tpu.dma_semaphore, #tpu.memory_space<semaphore_mem>>) src(%dma_wait3A_120 : memref<128x128xf32, #tpu.memory_space<vmem>>) dst(%dma_wait3A_126 : memref<5128x128xf32, #tpu.memory_space<vmem_shared>>)
        %dma_wait3A_127 = arith.constant 0 : i32
        %dma_wait3A_128 = arith.constant 0 : i32
        %dma_wait3A_129 = arith.constant 1 : i32
        %dma_wait3A_130 = arith.constant 128 : i32
        %dma_wait3A_131 = arith.constant 0 : i32
        %dma_wait3A_132 = tpu.memref_slice %arg8[%dma_wait3A_127, %dma_wait3A_130, %dma_wait3A_131] : memref<2x256x128xf32, #tpu.memory_space<vmem>> -> memref<1x128x128xf32, #tpu.memory_space<vmem>>
        %dma_wait3A_133 = tpu.memref_squeeze %dma_wait3A_132 : memref<1x128x128xf32, #tpu.memory_space<vmem>> -> memref<128x128xf32, #tpu.memory_space<vmem>>
        %dma_wait3A_134 = arith.constant 0 : i32
        %dma_wait3A_135 = tpu.memref_slice %arg9[%dma_wait3A_128, %dma_wait3A_129, %dma_wait3A_134] : memref<2x2x128xi32, #tpu.memory_space<vmem>> -> memref<1x1x128xi32, #tpu.memory_space<vmem>>
        %dma_wait3A_136 = tpu.memref_squeeze %dma_wait3A_135 : memref<1x1x128xi32, #tpu.memory_space<vmem>> -> memref<128xi32, #tpu.memory_space<vmem>>
        %dma_wait3A_137 = arith.constant 0 : i32
        %dma_wait3A_138 = arith.constant 0 : i32
        %dma_wait3A_139 = tpu.memref_slice %arg11[%dma_wait3A_137, %dma_wait3A_138] : memref<5128x128xf32, #tpu.memory_space<vmem_shared>> -> memref<5128x128xf32, #tpu.memory_space<vmem_shared>>
        tpu.wait_indirect_dma semaphore(%arg14 : memref<!tpu.dma_semaphore, #tpu.memory_space<semaphore_mem>>) src(%dma_wait3A_133 : memref<128x128xf32, #tpu.memory_space<vmem>>) dst(%dma_wait3A_139 : memref<5128x128xf32, #tpu.memory_space<vmem_shared>>)
      } else {
      }
      %eq3A_110 = arith.constant 1 : i32
      %eq3A_111 = arith.cmpi eq, %select_n3A_95, %eq3A_110 : i32
      %convert_element_type3A_112 = arith.extui %eq3A_111 : i1 to i32
      %cond3A_113 = arith.constant 0 : i32
      %cond3A_114 = arith.cmpi ne, %convert_element_type3A_112, %cond3A_113 : i32
      scf.if %cond3A_114 {
        %dma_wait3A = arith.constant 1 : i32
        %dma_wait3A_115 = arith.constant 1 : i32
        %dma_wait3A_116 = arith.constant 0 : i32
        %dma_wait3A_117 = arith.constant 0 : i32
        %dma_wait3A_118 = arith.constant 0 : i32
        %dma_wait3A_119 = tpu.memref_slice %arg8[%dma_wait3A, %dma_wait3A_117, %dma_wait3A_118] : memref<2x256x128xf32, #tpu.memory_space<vmem>> -> memref<1x128x128xf32, #tpu.memory_space<vmem>>
        %dma_wait3A_120 = tpu.memref_squeeze %dma_wait3A_119 : memref<1x128x128xf32, #tpu.memory_space<vmem>> -> memref<128x128xf32, #tpu.memory_space<vmem>>
        %dma_wait3A_121 = arith.constant 0 : i32
        %dma_wait3A_122 = tpu.memref_slice %arg9[%dma_wait3A_115, %dma_wait3A_116, %dma_wait3A_121] : memref<2x2x128xi32, #tpu.memory_space<vmem>> -> memref<1x1x128xi32, #tpu.memory_space<vmem>>
        %dma_wait3A_123 = tpu.memref_squeeze %dma_wait3A_122 : memref<1x1x128xi32, #tpu.memory_space<vmem>> -> memref<128xi32, #tpu.memory_space<vmem>>
        %dma_wait3A_124 = arith.constant 0 : i32
        %dma_wait3A_125 = arith.constant 0 : i32
        %dma_wait3A_126 = tpu.memref_slice %arg11[%dma_wait3A_124, %dma_wait3A_125] : memref<5128x128xf32, #tpu.memory_space<vmem_shared>> -> memref<5128x128xf32, #tpu.memory_space<vmem_shared>>
        tpu.wait_indirect_dma semaphore(%arg15 : memref<!tpu.dma_semaphore, #tpu.memory_space<semaphore_mem>>) src(%dma_wait3A_120 : memref<128x128xf32, #tpu.memory_space<vmem>>) dst(%dma_wait3A_126 : memref<5128x128xf32, #tpu.memory_space<vmem_shared>>)
        %dma_wait3A_127 = arith.constant 1 : i32
        %dma_wait3A_128 = arith.constant 1 : i32
        %dma_wait3A_129 = arith.constant 1 : i32
        %dma_wait3A_130 = arith.constant 128 : i32
        %dma_wait3A_131 = arith.constant 0 : i32
        %dma_wait3A_132 = tpu.memref_slice %arg8[%dma_wait3A_127, %dma_wait3A_130, %dma_wait3A_131] : memref<2x256x128xf32, #tpu.memory_space<vmem>> -> memref<1x128x128xf32, #tpu.memory_space<vmem>>
        %dma_wait3A_133 = tpu.memref_squeeze %dma_wait3A_132 : memref<1x128x128xf32, #tpu.memory_space<vmem>> -> memref<128x128xf32, #tpu.memory_space<vmem>>
        %dma_wait3A_134 = arith.constant 0 : i32
        %dma_wait3A_135 = tpu.memref_slice %arg9[%dma_wait3A_128, %dma_wait3A_129, %dma_wait3A_134] : memref<2x2x128xi32, #tpu.memory_space<vmem>> -> memref<1x1x128xi32, #tpu.memory_space<vmem>>
        %dma_wait3A_136 = tpu.memref_squeeze %dma_wait3A_135 : memref<1x1x128xi32, #tpu.memory_space<vmem>> -> memref<128xi32, #tpu.memory_space<vmem>>
        %dma_wait3A_137 = arith.constant 0 : i32
        %dma_wait3A_138 = arith.constant 0 : i32
        %dma_wait3A_139 = tpu.memref_slice %arg11[%dma_wait3A_137, %dma_wait3A_138] : memref<5128x128xf32, #tpu.memory_space<vmem_shared>> -> memref<5128x128xf32, #tpu.memory_space<vmem_shared>>
        tpu.wait_indirect_dma semaphore(%arg15 : memref<!tpu.dma_semaphore, #tpu.memory_space<semaphore_mem>>) src(%dma_wait3A_133 : memref<128x128xf32, #tpu.memory_space<vmem>>) dst(%dma_wait3A_139 : memref<5128x128xf32, #tpu.memory_space<vmem_shared>>)
      } else {
      }
    } else {
    }
    %barrier3A_101 = arith.constant 0 : index
    tpu.barrier barrier_id(%barrier3A_101)
    %mul3A_102 = arith.constant 5120 : i32
    %mul3A_103 = arith.muli %arg0, %mul3A_102 : i32
    %add3A_104 = arith.addi %mul3A_103, %mul3A_0 : i32
    "tpu.region"() ({
      %run_scoped3A = tpu.sem_alloc : memref<!tpu.dma_semaphore, #tpu.memory_space<semaphore_mem>>
      %dma_start3A = arith.constant 0 : i32
      %dma_start3A_105 = tpu.memref_slice %arg7[%add3A_104, %dma_start3A] : memref<10240x128xf32, #tpu.memory_space<hbm>> -> memref<320x128xf32, #tpu.memory_space<hbm>>
      %dma_start3A_106 = arith.constant 0 : i32
      %dma_start3A_107 = tpu.memref_slice %arg11[%mul3A_0, %dma_start3A_106] : memref<5128x128xf32, #tpu.memory_space<vmem_shared>> -> memref<320x128xf32, #tpu.memory_space<vmem_shared>>
      tpu.enqueue_dma source(%dma_start3A_107 : memref<320x128xf32, #tpu.memory_space<vmem_shared>>) target(%dma_start3A_105 : memref<320x128xf32, #tpu.memory_space<hbm>>) target_semaphore(%run_scoped3A : memref<!tpu.dma_semaphore, #tpu.memory_space<semaphore_mem>>)
      %dma_wait3A = arith.constant 0 : i32
      %dma_wait3A_108 = tpu.memref_slice %arg7[%add3A_104, %dma_wait3A] : memref<10240x128xf32, #tpu.memory_space<hbm>> -> memref<320x128xf32, #tpu.memory_space<hbm>>
      %dma_wait3A_109 = arith.constant 0 : i32
      %dma_wait3A_110 = tpu.memref_slice %arg11[%mul3A_0, %dma_wait3A_109] : memref<5128x128xf32, #tpu.memory_space<vmem_shared>> -> memref<320x128xf32, #tpu.memory_space<vmem_shared>>
      tpu.wait_dma2 semaphore(%run_scoped3A : memref<!tpu.dma_semaphore, #tpu.memory_space<semaphore_mem>>) src(%dma_wait3A_110 : memref<320x128xf32, #tpu.memory_space<vmem_shared>>) dst(%dma_wait3A_108 : memref<320x128xf32, #tpu.memory_space<hbm>>)
      tpu.yield
    }) : () -> ()
    return
  }
}

module attributes {stable_mosaic.version = 14 : i64} {
  func.func @_edge_body(%arg0: i32, %arg1: memref<8x16000xf32, #tpu.memory_space<vmem>>, %arg2: memref<16000x128xf32, #tpu.memory_space<vmem>>, %arg3: memref<8x128xf32, #tpu.memory_space<vmem>>, %arg4: memref<16000x128xf32, #tpu.memory_space<vmem>>) attributes {dimension_semantics = [#tpu.dimension_semantics<arbitrary>], iteration_bounds = array<i64: 20>, scalar_prefetch = 0 : i64, scratch_operands = 0 : i64, tpu.core_type = #tpu.core_type<tc>, window_params = [{transform_indices = @transform_0, window_bounds = array<i64: 8, 16000>}, {transform_indices = @transform_1, window_bounds = array<i64: 16000, 128>}, {pipeline_mode = #tpu.pipeline_mode<synchronous>, transform_indices = @transform_2, window_bounds = array<i64: 8, 128>}, {transform_indices = @transform_3, window_bounds = array<i64: 16000, 128>}]} {
    %get3A = arith.constant 0 : index
    %get3A_0 = arith.constant 0 : index
    %get3A_1 = vector.load %arg1[%get3A, %get3A_0] : memref<8x16000xf32, #tpu.memory_space<vmem>>, vector<8x16000xf32>
    %get3A_2 = arith.constant 0 : index
    %get3A_3 = arith.constant 0 : index
    %get3A_4 = vector.load %arg3[%get3A_2, %get3A_3] : memref<8x128xf32, #tpu.memory_space<vmem>>, vector<8x128xf32>
    %dot_general3A = arith.constant dense<0.000000e+00> : vector<16000x128xf32>
    %dot_general3A_5 = tpu.matmul %get3A_1, %get3A_4, %dot_general3A {dimension_numbers = #tpu.dot_dimension_numbers<[0], [0], [1], [1], [0, 1, 1, 1], [], []>, transpose_lhs_hint = false} : vector<8x16000xf32>, vector<8x128xf32>, vector<16000x128xf32> -> vector<16000x128xf32>
    %get3A_6 = arith.constant 0 : index
    %get3A_7 = arith.constant 0 : index
    %get3A_8 = vector.load %arg2[%get3A_6, %get3A_7] : memref<16000x128xf32, #tpu.memory_space<vmem>>, vector<16000x128xf32>
    %mul3A = arith.mulf %dot_general3A_5, %get3A_8 : vector<16000x128xf32>
    %swap3A = arith.constant 0 : index
    %swap3A_9 = arith.constant 0 : index
    %swap3A_10 = vector.load %arg4[%swap3A, %swap3A_9] : memref<16000x128xf32, #tpu.memory_space<vmem>>, vector<16000x128xf32>
    tpu.vector_store %arg4[%swap3A, %swap3A_9], %mul3A {strides = array<i32>} : memref<16000x128xf32, #tpu.memory_space<vmem>>, vector<16000x128xf32>,
    return
  }
  func.func @transform_0(%arg0: i32) -> (i32, i32) {
    %c0_i32 = arith.constant 0 : i32
    %c0_i32_0 = arith.constant 0 : i32
    return %c0_i32, %arg0 : i32, i32
  }
  func.func @transform_1(%arg0: i32) -> (i32, i32) {
    %c0_i32 = arith.constant 0 : i32
    %c0_i32_0 = arith.constant 0 : i32
    return %arg0, %c0_i32 : i32, i32
  }
  func.func @transform_2(%arg0: i32) -> (i32, i32) {
    %c0_i32 = arith.constant 0 : i32
    %c0_i32_0 = arith.constant 0 : i32
    %c0_i32_1 = arith.constant 0 : i32
    return %c0_i32, %c0_i32_0 : i32, i32
  }
  func.func @transform_3(%arg0: i32) -> (i32, i32) {
    %c0_i32 = arith.constant 0 : i32
    %c0_i32_0 = arith.constant 0 : i32
    return %arg0, %c0_i32 : i32, i32
  }
}

module attributes {stable_mosaic.version = 14 : i64} {
  func.func @_mlp_body(%arg0: i32, %arg1: memref<2000x128xf32, #tpu.memory_space<vmem>>, %arg2: memref<128x256xf32, #tpu.memory_space<vmem>>, %arg3: memref<256x256xf32, #tpu.memory_space<vmem>>, %arg4: memref<1x256xf32, #tpu.memory_space<vmem>>, %arg5: memref<256x256xf32, #tpu.memory_space<vmem>>, %arg6: memref<1x256xf32, #tpu.memory_space<vmem>>, %arg7: memref<256x256xf32, #tpu.memory_space<vmem>>, %arg8: memref<1x256xf32, #tpu.memory_space<vmem>>, %arg9: memref<256x1xf32, #tpu.memory_space<vmem>>, %arg10: memref<2000x1xf32, #tpu.memory_space<vmem>>) attributes {dimension_semantics = [#tpu.dimension_semantics<arbitrary>], iteration_bounds = array<i64: 5>, scalar_prefetch = 0 : i64, scratch_operands = 0 : i64, tpu.core_type = #tpu.core_type<tc>, window_params = [{transform_indices = @transform_0, window_bounds = array<i64: 2000, 128>}, {pipeline_mode = #tpu.pipeline_mode<synchronous>, transform_indices = @transform_1, window_bounds = array<i64: 128, 256>}, {pipeline_mode = #tpu.pipeline_mode<synchronous>, transform_indices = @transform_2, window_bounds = array<i64: 256, 256>}, {pipeline_mode = #tpu.pipeline_mode<synchronous>, transform_indices = @transform_3, window_bounds = array<i64: 1, 256>}, {pipeline_mode = #tpu.pipeline_mode<synchronous>, transform_indices = @transform_4, window_bounds = array<i64: 256, 256>}, {pipeline_mode = #tpu.pipeline_mode<synchronous>, transform_indices = @transform_5, window_bounds = array<i64: 1, 256>}, {pipeline_mode = #tpu.pipeline_mode<synchronous>, transform_indices = @transform_6, window_bounds = array<i64: 256, 256>}, {pipeline_mode = #tpu.pipeline_mode<synchronous>, transform_indices = @transform_7, window_bounds = array<i64: 1, 256>}, {pipeline_mode = #tpu.pipeline_mode<synchronous>, transform_indices = @transform_8, window_bounds = array<i64: 256, 1>}, {transform_indices = @transform_9, window_bounds = array<i64: 2000, 1>}]} {
    %get3A = arith.constant 0 : index
    %get3A_0 = arith.constant 0 : index
    %get3A_1 = vector.load %arg1[%get3A, %get3A_0] : memref<2000x128xf32, #tpu.memory_space<vmem>>, vector<2000x128xf32>
    %get3A_2 = arith.constant 0 : index
    %get3A_3 = arith.constant 0 : index
    %get3A_4 = vector.load %arg2[%get3A_2, %get3A_3] : memref<128x256xf32, #tpu.memory_space<vmem>>, vector<128x256xf32>
    %dot_general3A = arith.constant dense<0.000000e+00> : vector<2000x256xf32>
    %dot_general3A_5 = tpu.matmul %get3A_1, %get3A_4, %dot_general3A {dimension_numbers = #tpu.dot_dimension_numbers<[1], [0], [0], [1], [0, 0, 1, 1], [], []>, transpose_lhs_hint = false} : vector<2000x128xf32>, vector<128x256xf32>, vector<2000x256xf32> -> vector<2000x256xf32>
    %get3A_6 = arith.constant 0 : index
    %get3A_7 = arith.constant 0 : index
    %get3A_8 = vector.load %arg3[%get3A_6, %get3A_7] : memref<256x256xf32, #tpu.memory_space<vmem>>, vector<256x256xf32>
    %dot_general3A_9 = arith.constant dense<0.000000e+00> : vector<2000x256xf32>
    %dot_general3A_10 = tpu.matmul %dot_general3A_5, %get3A_8, %dot_general3A_9 {dimension_numbers = #tpu.dot_dimension_numbers<[1], [0], [0], [1], [0, 0, 1, 1], [], []>, transpose_lhs_hint = false} : vector<2000x256xf32>, vector<256x256xf32>, vector<2000x256xf32> -> vector<2000x256xf32>
    %get3A_11 = arith.constant 0 : index
    %get3A_12 = arith.constant 0 : index
    %get3A_13 = vector.load %arg4[%get3A_11, %get3A_12] : memref<1x256xf32, #tpu.memory_space<vmem>>, vector<1x256xf32>
    %add3A = vector.broadcast %get3A_13 : vector<1x256xf32> to vector<2000x256xf32>
    %add3A_14 = arith.addf %dot_general3A_10, %add3A : vector<2000x256xf32>
    %logistic3A = arith.negf %add3A_14 : vector<2000x256xf32>
    %logistic3A_15 = math.exp %logistic3A : vector<2000x256xf32>
    %logistic3A_16 = arith.constant 1.000000e+00 : f32
    %logistic3A_17 = vector.broadcast %logistic3A_16 : f32 to vector<2000x256xf32>
    %logistic3A_18 = arith.addf %logistic3A_17, %logistic3A_15 : vector<2000x256xf32>
    %logistic3A_19 = arith.divf %logistic3A_17, %logistic3A_18 : vector<2000x256xf32>
    %mul3A = arith.mulf %add3A_14, %logistic3A_19 : vector<2000x256xf32>
    %get3A_20 = arith.constant 0 : index
    %get3A_21 = arith.constant 0 : index
    %get3A_22 = vector.load %arg5[%get3A_20, %get3A_21] : memref<256x256xf32, #tpu.memory_space<vmem>>, vector<256x256xf32>
    %dot_general3A_23 = arith.constant dense<0.000000e+00> : vector<2000x256xf32>
    %dot_general3A_24 = tpu.matmul %mul3A, %get3A_22, %dot_general3A_23 {dimension_numbers = #tpu.dot_dimension_numbers<[1], [0], [0], [1], [0, 0, 1, 1], [], []>, transpose_lhs_hint = false} : vector<2000x256xf32>, vector<256x256xf32>, vector<2000x256xf32> -> vector<2000x256xf32>
    %get3A_25 = arith.constant 0 : index
    %get3A_26 = arith.constant 0 : index
    %get3A_27 = vector.load %arg6[%get3A_25, %get3A_26] : memref<1x256xf32, #tpu.memory_space<vmem>>, vector<1x256xf32>
    %add3A_28 = vector.broadcast %get3A_27 : vector<1x256xf32> to vector<2000x256xf32>
    %add3A_29 = arith.addf %dot_general3A_24, %add3A_28 : vector<2000x256xf32>
    %logistic3A_30 = arith.negf %add3A_29 : vector<2000x256xf32>
    %logistic3A_31 = math.exp %logistic3A_30 : vector<2000x256xf32>
    %logistic3A_32 = arith.constant 1.000000e+00 : f32
    %logistic3A_33 = vector.broadcast %logistic3A_32 : f32 to vector<2000x256xf32>
    %logistic3A_34 = arith.addf %logistic3A_33, %logistic3A_31 : vector<2000x256xf32>
    %logistic3A_35 = arith.divf %logistic3A_33, %logistic3A_34 : vector<2000x256xf32>
    %mul3A_36 = arith.mulf %add3A_29, %logistic3A_35 : vector<2000x256xf32>
    %get3A_37 = arith.constant 0 : index
    %get3A_38 = arith.constant 0 : index
    %get3A_39 = vector.load %arg7[%get3A_37, %get3A_38] : memref<256x256xf32, #tpu.memory_space<vmem>>, vector<256x256xf32>
    %dot_general3A_40 = arith.constant dense<0.000000e+00> : vector<2000x256xf32>
    %dot_general3A_41 = tpu.matmul %mul3A_36, %get3A_39, %dot_general3A_40 {dimension_numbers = #tpu.dot_dimension_numbers<[1], [0], [0], [1], [0, 0, 1, 1], [], []>, transpose_lhs_hint = false} : vector<2000x256xf32>, vector<256x256xf32>, vector<2000x256xf32> -> vector<2000x256xf32>
    %get3A_42 = arith.constant 0 : index
    %get3A_43 = arith.constant 0 : index
    %get3A_44 = vector.load %arg8[%get3A_42, %get3A_43] : memref<1x256xf32, #tpu.memory_space<vmem>>, vector<1x256xf32>
    %add3A_45 = vector.broadcast %get3A_44 : vector<1x256xf32> to vector<2000x256xf32>
    %add3A_46 = arith.addf %dot_general3A_41, %add3A_45 : vector<2000x256xf32>
    %logistic3A_47 = arith.negf %add3A_46 : vector<2000x256xf32>
    %logistic3A_48 = math.exp %logistic3A_47 : vector<2000x256xf32>
    %logistic3A_49 = arith.constant 1.000000e+00 : f32
    %logistic3A_50 = vector.broadcast %logistic3A_49 : f32 to vector<2000x256xf32>
    %logistic3A_51 = arith.addf %logistic3A_50, %logistic3A_48 : vector<2000x256xf32>
    %logistic3A_52 = arith.divf %logistic3A_50, %logistic3A_51 : vector<2000x256xf32>
    %mul3A_53 = arith.mulf %add3A_46, %logistic3A_52 : vector<2000x256xf32>
    %get3A_54 = arith.constant 0 : index
    %get3A_55 = arith.constant 0 : index
    %get3A_56 = vector.load %arg9[%get3A_54, %get3A_55] : memref<256x1xf32, #tpu.memory_space<vmem>>, vector<256x1xf32>
    %dot_general3A_57 = arith.constant dense<0.000000e+00> : vector<2000x1xf32>
    %dot_general3A_58 = tpu.matmul %mul3A_53, %get3A_56, %dot_general3A_57 {dimension_numbers = #tpu.dot_dimension_numbers<[1], [0], [0], [1], [0, 0, 1, 1], [], []>, transpose_lhs_hint = false} : vector<2000x256xf32>, vector<256x1xf32>, vector<2000x1xf32> -> vector<2000x1xf32>
    %swap3A = arith.constant 0 : index
    %swap3A_59 = arith.constant 0 : index
    %swap3A_60 = vector.load %arg10[%swap3A, %swap3A_59] : memref<2000x1xf32, #tpu.memory_space<vmem>>, vector<2000x1xf32>
    tpu.vector_store %arg10[%swap3A, %swap3A_59], %dot_general3A_58 {strides = array<i32>} : memref<2000x1xf32, #tpu.memory_space<vmem>>, vector<2000x1xf32>,
    return
  }
  func.func @transform_0(%arg0: i32) -> (i32, i32) {
    %c0_i32 = arith.constant 0 : i32
    %c0_i32_0 = arith.constant 0 : i32
    return %arg0, %c0_i32 : i32, i32
  }
  func.func @transform_1(%arg0: i32) -> (i32, i32) {
    %c0_i32 = arith.constant 0 : i32
    %c0_i32_0 = arith.constant 0 : i32
    %c0_i32_1 = arith.constant 0 : i32
    return %c0_i32, %c0_i32_0 : i32, i32
  }
  func.func @transform_2(%arg0: i32) -> (i32, i32) {
    %c0_i32 = arith.constant 0 : i32
    %c0_i32_0 = arith.constant 0 : i32
    %c0_i32_1 = arith.constant 0 : i32
    return %c0_i32, %c0_i32_0 : i32, i32
  }
  func.func @transform_3(%arg0: i32) -> (i32, i32) {
    %c0_i32 = arith.constant 0 : i32
    %c0_i32_0 = arith.constant 0 : i32
    %c0_i32_1 = arith.constant 0 : i32
    return %c0_i32, %c0_i32_0 : i32, i32
  }
  func.func @transform_4(%arg0: i32) -> (i32, i32) {
    %c0_i32 = arith.constant 0 : i32
    %c0_i32_0 = arith.constant 0 : i32
    %c0_i32_1 = arith.constant 0 : i32
    return %c0_i32, %c0_i32_0 : i32, i32
  }
  func.func @transform_5(%arg0: i32) -> (i32, i32) {
    %c0_i32 = arith.constant 0 : i32
    %c0_i32_0 = arith.constant 0 : i32
    %c0_i32_1 = arith.constant 0 : i32
    return %c0_i32, %c0_i32_0 : i32, i32
  }
  func.func @transform_6(%arg0: i32) -> (i32, i32) {
    %c0_i32 = arith.constant 0 : i32
    %c0_i32_0 = arith.constant 0 : i32
    %c0_i32_1 = arith.constant 0 : i32
    return %c0_i32, %c0_i32_0 : i32, i32
  }
  func.func @transform_7(%arg0: i32) -> (i32, i32) {
    %c0_i32 = arith.constant 0 : i32
    %c0_i32_0 = arith.constant 0 : i32
    %c0_i32_1 = arith.constant 0 : i32
    return %c0_i32, %c0_i32_0 : i32, i32
  }
  func.func @transform_8(%arg0: i32) -> (i32, i32) {
    %c0_i32 = arith.constant 0 : i32
    %c0_i32_0 = arith.constant 0 : i32
    %c0_i32_1 = arith.constant 0 : i32
    return %c0_i32, %c0_i32_0 : i32, i32
  }
  func.func @transform_9(%arg0: i32) -> (i32, i32) {
    %c0_i32 = arith.constant 0 : i32
    %c0_i32_0 = arith.constant 0 : i32
    return %arg0, %c0_i32 : i32, i32
  }
}

</mosaic_0001>

<sc_bundles>
// kernel: kernel.5.cloned.1.call-start
scs
__scs_entry_jumppad:
0x0: {  	(pc) =	sbr.rel $0x88, $3  }
0x1: {  	(tag) =	ssettag $0x0;
	lr =	simm.s32 $0x1  }
0x2: {  	[smem:$0x3F95] =	sst lr;
	_ =	strace $0xD0000000  }
0x3: {  	_ = 	snop  }
0x4: {  	_ = 	snop  }
0x5: {  	_ = 	snop  }
0x6: {  	_ = 	snop  }
0x7: {  	_ = 	snop  }
__scs_overlays_trampoline_lowered:
0x8: {  	[smem:$0x3FA4] =	sst s0  }
0x9: {  	[smem:$0x3FA5] =	sst s1  }
0xa: {  	[smem:$0x3FA6] =	sst s2  }
0xb: {  	[smem:$0x3FA7] =	sst s3  }
0xc: {  	[smem:$0x3FA8] =	sst s4  }
0xd: {  	[smem:$0x3FA9] =	sst s5  }
0xe: {  	[smem:$0x3FAA] =	sst s6  }
0xf: {  	[smem:$0x3FAB] =	sst s7  }
0x10: {  	[smem:$0x3FAC] =	sst s8  }
0x11: {  	[smem:$0x3FAD] =	sst s9;
	s0 =	simm.s32 @!p0 $0x0  }
0x12: {  	s1 =	sld [smem:$0x3F93];
	s0 =	simm.s32 @p0 $0x1  }
0x13: {  	[smem:$0x3FAE] =	sst s0;
	s0 =	simm.s32 @!p1 $0x0  }
0x14: {  	s2 =	sld [smem:$0x3F92];
	s0 =	simm.s32 @p1 $0x1  }
0x15: {  	[smem:$0x3FAF] =	sst s0;
	s0 =	simm.s32 @!p2 $0x0  }
0x16: {  	s3 =	sld [smem:$0x3FDB];
	s0 =	simm.s32 @p2 $0x1  }
0x17: {  	s4 =	simm.s32 $0x1BF5;
	[smem:$0x3FB1] =	sst s0  }
0x18: {  	s0 =	sld [smem:$0x3F94];
	_ =	swait.ge [sflag:s4], $0x0  }
0x19: {  	s7 =	sld [smem:$0x3F95]  }
0x1a: {  	s8 =	sadd.s32 $0xFFFFE003, lr  }
0x1b: {  	s9 =	sadd.s32 $0xFFFFFEF7, lr;
	s5 =	simm.s32 $0xFFFFFFFF;
	p2 =	slt.u32 s8, $0xFFFFF086  }
0x1c: {  	p1 =	slt.u32 s9, $0xF7A;
	s5 =	simm.s32 @!p2 $0x0  }
0x1d: {  	s5 =	simm.s32 @p1 $0x1;
	p0 =	seq.s32 s7, s2  }
0x1e: {  	s7 =	smul.u32 @!p0 $0xF7A, s2;
	p2 =	seq.s32 @!p0 s5, $0x0  }
0x1f: {  	s9 =	smul.u32 $0xF7A, s1;
	s8 =	simm.s32 @!p0 $0x1BF5;
	p2 =	por !p2, p0  }
0x20: {  	[sflag:s8] =	ssyncset.s32 @!p0 $0xFFFFF086;
	s6 =	sadd.s32 @!p0 s3, s7;
	s7 =	simm.s32 @!p0 $0x108  }
0x21: {  	s3 =	sadd.s32 s3, s9;
	s6 =	sadd.s32 @!p0 $0x88, s6;
	s7 =	simm.s32 @p2 $0x1082  }
0x22: {  	[simem:s7], [sflag:s8] =	dma.local @!p0 [hbm:s6], $0xF7A  }
0x23: {  	s9 =	sor.u32 $0xD0000000, s2;
	s6 =	simm.s32 $0x108;
	_ =	swait.ge @!p0 [sflag:s8], $0x0  }
0x24: {  	s3 =	sadd.s32 $0x88, s3;
	s6 =	simm.s32 @!p1 $0x1082;
	[sflag:s4] =	ssyncset.s32 $0xFFFFF086  }
0x25: {  	[simem:s6], [sflag:s4] =	dma.local [hbm:s3], $0xF7A  }
0x26: {  	[smem:$0x3F95] =	sst s1;
	(tag) =	ssettag s2;
	_ =	strace s9  }
0x27: {  	s1 =	sld [smem:$0x3FA5]  }
0x28: {  	s2 =	sld [smem:$0x3FA6]  }
0x29: {  	s4 =	sld [smem:$0x3FA8]  }
0x2a: {  	p0 =	seq.s32 s5, $0x0;
	s5 =	sld [smem:$0x3FA9]  }
0x2b: {  	s6 =	sld [smem:$0x3FAA]  }
0x2c: {  	s7 =	sld [smem:$0x3FAB]  }
0x2d: {  	s3 =	simm.s32 $0x108;
	s8 =	sld [smem:$0x3FAC]  }
0x2e: {  	s3 =	simm.s32 @!p0 $0x1082;
	s9 =	sld [smem:$0x3FAD]  }
0x2f: {  	lr =	sadd.s32 s0, s3;
	s0 =	sld [smem:$0x3FA4]  }
0x30: {  	s3 =	sld [smem:$0x3FA7]  }
0x31: {  	[smem:$0x3FB0] =	sst s10  }
0x32: {  	s10 =	sld [smem:$0x3FAE];
	_ =	sdelay $0x3  }
0x33: {  	p0 =	seq.s32 s10, $0x1;
	s10 =	sld [smem:$0x3FB0];
	_ =	sdelay $0x3  }
0x34: {  	[smem:$0x3FB0] =	sst s10  }
0x35: {  	s10 =	sld [smem:$0x3FAF];
	_ =	sdelay $0x3  }
0x36: {  	p1 =	seq.s32 s10, $0x1;
	s10 =	sld [smem:$0x3FB0];
	_ =	sdelay $0x3  }
0x37: {  	[smem:$0x3FB0] =	sst s10  }
0x38: {  	s10 =	sld [smem:$0x3FB1]  }
0x39: {  	_ = 	snop;
	(pc) =	sbr.ind lr, $3  }
0x3a: {  	_ = 	snop  }
0x3b: {  	_ = 	snop  }
0x3c: {  	p2 =	seq.s32 s10, $0x1;
	s10 =	sld [smem:$0x3FB0]  }
0x3d: {  	_ =	shalt  }
0x3e: {  	_ =	shalt  }
0x3f: {  	_ =	shalt  }
0x40: {  	_ =	shalt  }
0x41: {  	_ =	shalt  }
0x42: {  	_ =	shalt  }
0x43: {  	_ =	shalt  }
0x44: {  	_ =	shalt  }
0x45: {  	_ =	shalt  }
0x46: {  	_ =	shalt  }
0x47: {  	_ =	shalt  }
0x48: {  	_ =	shalt  }
0x49: {  	_ =	shalt  }
0x4a: {  	_ =	shalt  }
0x4b: {  	_ =	shalt  }
0x4c: {  	_ =	shalt  }
0x4d: {  	_ =	shalt  }
0x4e: {  	_ =	shalt  }
0x4f: {  	_ =	shalt  }
0x50: {  	_ =	shalt  }
0x51: {  	_ =	shalt  }
0x52: {  	_ =	shalt  }
0x53: {  	_ =	shalt  }
0x54: {  	_ =	shalt  }
0x55: {  	_ =	shalt  }
0x56: {  	_ =	shalt  }
0x57: {  	_ =	shalt  }
0x58: {  	_ =	shalt  }
0x59: {  	_ =	shalt  }
0x5a: {  	_ =	shalt  }
0x5b: {  	_ =	shalt  }
0x5c: {  	_ =	shalt  }
0x5d: {  	_ =	shalt  }
0x5e: {  	_ =	shalt  }
0x5f: {  	_ =	shalt  }
0x60: {  	_ =	shalt  }
0x61: {  	_ =	shalt  }
0x62: {  	_ =	shalt  }
0x63: {  	_ =	shalt  }
0x64: {  	_ =	shalt  }
0x65: {  	_ =	shalt  }
0x66: {  	_ =	shalt  }
0x67: {  	_ =	shalt  }
0x68: {  	_ =	shalt  }
0x69: {  	_ =	shalt  }
0x6a: {  	_ =	shalt  }
0x6b: {  	_ =	shalt  }
0x6c: {  	_ =	shalt  }
0x6d: {  	_ =	shalt  }
0x6e: {  	_ =	shalt  }
0x6f: {  	_ =	shalt  }
0x70: {  	_ =	shalt  }
0x71: {  	_ =	shalt  }
0x72: {  	_ =	shalt  }
0x73: {  	_ =	shalt  }
0x74: {  	_ =	shalt  }
0x75: {  	_ =	shalt  }
0x76: {  	_ =	shalt  }
0x77: {  	_ =	shalt  }
0x78: {  	_ =	shalt  }
0x79: {  	_ =	shalt  }
0x7a: {  	_ =	shalt  }
0x7b: {  	_ =	shalt  }
0x7c: {  	_ =	shalt  }
0x7d: {  	_ =	shalt  }
0x7e: {  	_ =	shalt  }
0x7f: {  	_ =	shalt  }
0x80: {  	_ =	shalt  }
0x81: {  	_ =	shalt  }
0x82: {  	_ =	shalt  }
0x83: {  	_ =	shalt  }
0x84: {  	_ =	shalt  }
0x85: {  	_ =	shalt  }
0x86: {  	_ =	shalt  }
0x87: {  	_ =	shalt  }
.Lfunc_end0:
.L_simem_size_0:
called_computation_lowered:
.L_overlay_start_0:
0x88: {  	s2 =	sld [smem:$0x3FD9]  }
0x89: {  	s3 =	sld [smem:$0x3FFE];
	_ =	sdelay $0x1  }
0x8a: {  	s1 =	srdreg.scid  }
0x8b: {  	s0 =	sand.u32 $0x1, s1  }
0x8c: {  	s17 =	sshll.u32 s0, $0xA;
	s2 =	sadd.s32 s3, s2  }
0x8d: {  	s2 =	sadd.s32 s2, s17  }
0x8e: {  	[smem:$0x3FBC] =	sst s2  }
0x8f: {  	_ = 	snop  }
0x90: {  	s2 =	sld [smem:$0x3FD0];
	(tm) =	ssettm $0x1  }
0x91: {  	s18 =	sld [smem:$0x3FFB];
	_ =	sdelay $0x3  }
0x92: {  	_ =	strace s18  }
0x93: {  	s3 =	sld [smem:$0x3FFC];
	_ =	sdelay $0x3  }
0x94: {  	_ =	strace s3  }
0x95: {  	s3 =	sld [smem:$0x3FFD];
	_ =	sdelay $0x3  }
0x96: {  	_ =	strace s3  }
0x97: {  	_ =	strace $0x8FFFFFFF  }
0x98: {  	s19 =	sld [smem:$0x3FDB];
	_ =	sdelay $0x1  }
0x99: {  	s4 =	simm.s32 $_scs_section_size  }
0x9a: {  	s5 =	simm.s32 $_size__tile_overlayer_lowered;
	s6 =	simm.s32 $_tile_overlayer_lowered  }
0x9b: {  	s22 =	simm.s32 $0x1BFF;
	s21 =	sshll.u32 s6, $0x1;
	s3 =	sadd.s32 s4, s19  }
0x9c: {  	s7 =	simm.s32 $0x0;
	s20 =	sshll.u32 s5, $0x1;
	s5 =	sadd.s32 s21, s3  }
0x9d: {  	[timem:s7], [sflag:s22] =	dma.local [hbm:s5], s20  }
0x9e: {  	_ =	swait.ge [sflag:s22], s20  }
0x9f: {  	s4 =	ssub.s32 $0x0, s20;
	[sflag:s22] =	ssyncset.done $0x0  }
0xa0: {  	[sflag:s22] =	ssyncadd.s32 s4;
	_ =	sdelay $0x1  }
0xa1: {  	s23 =	simm.s32 $0x1B8B  }
0xa2: {  	_ =	swait.ge [sflag:s23], $0x1  }
0xa3: {  	[sflag:s23] =	ssyncset.done $0x0  }
0xa4: {  	s25 =	simm.s32 $0x1B8E;
	s24 =	sld [smem:$0x3FFE];
	[sflag:s23] =	ssyncadd.s32 $0xFFFFFFFF  }
0xa5: {  	s26 =	simm.s32 $execute0_lowered;
	[smem:$0x3FD2] =	sst s25  }
0xa6: {  	s5 =	sshll.u32 s26, $0x1;
	_ =	strace $0x80000046;
	[dreg:$0x1] =	wrdreg $0xFFFFFFFF  }
0xa7: {  	s28 =	simm.s32 $_size_execute0_lowered;
	s3 =	sadd.s32 s3, s5;
	[dreg:$0x0] =	wrdreg $0x0  }
0xa8: {  	s5 =	sshll.u32 s28, $0x1;
	[dreg:$0x2] =	wrdreg s3  }
0xa9: {  	[dreg:$0x3] =	wrdreg s5  }
0xaa: {  	[dreg:$0x4] =	wrdreg $0xC0  }
0xab: {  	_ =	task [dreg:s7], $0x5FFFF  }
0xac: {  	[dreg:$0x1] =	wrdreg $0xFFFFFFFF  }
0xad: {  	[dreg:$0x0] =	wrdreg $0x60  }
0xae: {  	[dreg:$0x2] =	wrdreg s24  }
0xaf: {  	[dreg:$0x3] =	wrdreg s2  }
0xb0: {  	[dreg:$0x4] =	wrdreg $0x102800  }
0xb1: {  	[dreg:$0x5] =	wrdreg $0x9  }
0xb2: {  	_ =	task.clear_ibuf [dreg:s7], $0x6FFFF;
	_ =	strace $0x90000046  }
0xb3: {  	s29 =	simm.s32 $0x9;
	_ =	strace $0x80000048  }
0xb4: {  	_ =	swait.ge [sflag:s29], $0x1  }
0xb5: {  	[sflag:s29] =	ssyncadd.s32 $0xFFFFFFFF  }
0xb6: {  	_ =	strace $0x90000048  }
0xb7: {  	_ =	sfence  }
0xb8: {  	s30 =	sld [smem:$0x0];
	_ =	sdelay $0x2  }
0xb9: {  	s31 =	sshll.u32 s1, $0xD;
	s1 =	sshrl.u32 s1, $0x2  }
0xba: {  	s3 =	sand.u32 $0x4000, s31;
	s1 =	sadd.s32 s1, s30  }
0xbb: {  	s0 =	sor.u32 s3, s0;
	s1 =	sshll.u32 s1, $0x11  }
0xbc: {  	s0 =	sor.u32 s1, s0  }
0xbd: {  	s0 =	sadd.s32 $0x8F2B, s0  }
0xbe: {  	[sflag:s0] =	ssyncadd.remote.s32 $0x1  }
0xbf: {  	_ =	sfence.sel $0xFFFF  }
0xc0: {  	[dreg:$0x0] =	wrdreg $0xFFFFFFFF;
	(pc) =	sbr.abs _section_cstart, $3  }
0xc1: {  	[dreg:$0x1] =	wrdreg $0xFFFFFFFF  }
0xc2: {  	_ =	task.clear_ibuf [dreg:s7], $0x2FFFF;
	_ =	strace $0x9FFFFFFF  }
0xc3: {  	(tm) =	ssettm $0x7FFFFFFF  }
tec
execute0_lowered:
.L_overlay_start_1:
0x0: {  	(tag) =	ssettag $0x1  }
0x1: {  	s9 =	rddreg [dreg:$0x0]  }
0x2: {  	s3 =	rddreg [dreg:$0x2]  }
0x3: {  	s4 =	simm.s32 $0x0;
	s0 =	stileid.u32;
	s5 =	srdreg.scid  }
0x4: {  	s19 =	simm.s32 $0x0;
	[smem:$0x7FF] =	sst s4;
	s8 =	smul.u32 $0x1400, s0  }
0x5: {  	s15 =	sand.u32 $0x1, s5;
	s5 =	sadd.s32 $0x15400, s9;
	s6 =	sadd.s32 $0x1800, s9  }
0x6: {  	s7 =	sadd.s32 $0x15200, s9;
	s12 =	smul.u32 $0x28000, s0;
	s17 =	sshll.u32 s0, $0x6  }
0x7: {  	_ =	strace $0x80000047;
	s10 =	smul.u32 $0x14000, s15;
	s11 =	ssub.s32 $0x2, s15  }
0x8: {  	p0 =	seq.s32 s15, $0x0;
	s17 =	sor.u32 $0x1C05, s17;
	s13 =	sadd.s32 s8, s9  }
0x9: {  	s30 =	sshrl.u32 s11, $0x1;
	s31 =	sshrl.u32 s12, $0x2;
	s8 =	sadd.s32 s8, s10  }
.Ltmp0:
0xa: {  	s16 =	ssub.s32 s11, s30;
	s18 =	sadd.s32 s31, s3;
	(pc) =	sbr.rel .LBB2_1-.Ltmp0, $4  }
0xb: {  	s10 =	sadd.s32 $0x4F7400, s13;
	s14 =	sadd.s32 s8, s9;
	s8 =	smul.u32 $0x4E200, s15  }
0xc: {  	s9 =	sadd.s32 $0x1810, s9;
	s12 =	smax.u32 s16, $0x1;
	s15 =	simm.s32 $0x10200  }
0xd: {  	s16 =	simm.s32 $0x5;
	s18 =	sshrl.u32 s18, $0x3;
	s1 =	sor.u32 $0x100, s8  }
0xe: {  	s11 =	sadd.s32 $0x50B400, s14;
	s14 =	sshll.u32 s0, $0xC;
	[dreg:$0x4] =	wrdreg s1  }
.LBB2_4:
0xf: {  	s24 =	smov.u32 s21;
	s25 =	smov.u32 s22  }
.LBB2_6:
0x10: {  	p4 =	por p3, !p2;
	p3 =	sge.s32 s31, s20  }
0x11: {  	[spmem:s3] =	stream.indirect.scatter.add.f32 @!p4 [tilespmem:s30], [sflag:$0x4], $0x80, s29, s28, $0xb8;
	[tilespmem:$0x1A2C0] =	vst v63  }
0x12: {  	s0 =	simm.s32 @!p4 $0x10180;
	s1 =	simm.s32 @!p4 $0xC000;
	s2 =	simm.s32 @!p3 $0x1  }
0x13: {  	[spmem:s3] =	stream.indirect.scatter.add.f32 @!p4 [tilespmem:s1], [sflag:$0x4], $0x80, s0, s28, $0xb8;
	[tilespmem:$0x1A2C0] =	vst v63  }
0x14: {  	_ =	swait.ge @!p3 [sflag:s2], $0x8000  }
0x15: {  	[sflag:s2] =	ssyncset.done @!p3 $0x0  }
0x16: {  	[sflag:s2] =	ssyncadd.s32 @!p3 $0xFFFF8000  }
0x17: {  	_ =	swait.ge @!p3 [sflag:s2], $0x80  }
0x18: {  	[sflag:s2] =	ssyncset.done @!p3 $0x0  }
0x19: {  	[sflag:s2] =	ssyncadd.s32 @!p3 $0xFFFFFF80  }
0x1a: {  	p4 =	seq.s32 @!p3 s23, $0x1;
	_ =	swait.ge @!p3 [sflag:s2], $0x80  }
0x1b: {  	p4 =	por p4, p3;
	[sflag:s2] =	ssyncset.done @!p3 $0x0  }
0x1c: {  	p5 =	sge.s32 @!p3 s23, s20;
	s0 =	simm.s32 @!p4 $0x4;
	[sflag:s2] =	ssyncadd.s32 @!p3 $0xFFFFFF80  }
0x1d: {  	p5 =	por p5, p3;
	_ =	swait.ge @!p4 [sflag:s0], $0x4000  }
0x1e: {  	s1 =	sadd.s32 @p2 $0x200, s24;
	s2 =	sadd.s32 @p2 $0x2000, s25;
	[sflag:s0] =	ssyncset.done @!p4 $0x0  }
0x1f: {  	s13 =	simm.s32 @!p5 $0x8000;
	s22 =	smov.u32 @p2 s2;
	[sflag:s0] =	ssyncadd.s32 @!p4 $0xFFFFC000  }
0x20: {  	s21 =	smov.u32 @p2 s1;
	s1 =	sadd.s32 @!p5 $0x1000, s22;
	_ =	swait.ge @!p4 [sflag:s0], $0x4000  }
0x21: {  	s24 =	simm.s32 @!p5 $0x0;
	s1 =	sand.u32 @!p5 $0x1FFFF000, s1;
	[sflag:s0] =	ssyncset.done @!p4 $0x0  }
0x22: {  	s2 =	sshrl.u32 @!p5 s21, $0x3;
	s1 =	sadd.s32 @!p5 s5, s1;
	[sflag:s0] =	ssyncadd.s32 @!p4 $0xFFFFC000  }
0x23: {  	[tilespmem:s13], [sflag:$0x2] =	stream.linear.gather @!p5 [hbm4b:s1+s24], $0x8000, $0x38;
	[tilespmem:$0x1A2C0] =	vst v63  }
0x24: {  	s0 =	sadd.s32 @!p5 s6, s2;
	s1 =	simm.s32 @!p5 $0x10100  }
0x25: {  	[tilespmem:s1], [sflag:$0x2] =	stream.linear.gather @!p5 [hbm4b:s0+s24], $0x80, $0x38;
	[tilespmem:$0x1A2C0] =	vst v63  }
0x26: {  	p2 =	sge.s32 s23, s20;
	s0 =	sadd.s32 @!p5 s2, s9;
	s1 =	simm.s32 @!p5 $0x10180  }
0x27: {  	[tilespmem:s1], [sflag:$0x2] =	stream.linear.gather @!p5 [hbm4b:s0+s24], $0x80, $0x38;
	[tilespmem:$0x1A2C0] =	vst v63  }
0x28: {  	s2 =	simm.s32 @!p3 $0x0;
	s0 =	simm.s32 @!p3 $0x80;
	s1 =	simm.s32 @!p3 $0x10000  }
0x29: {  	[spmem:s3] =	stream.indirect.scatter.add.f32 @!p3 [tilespmem:s2], [sflag:$0x3], $0x80, s1, s0, $0xb8;
	[tilespmem:$0x1A2C0] =	vst v63  }
0x2a: {  	s13 =	simm.s32 @!p2 $0x2;
	s1 =	simm.s32 @!p3 $0x4000;
	s2 =	simm.s32 @!p3 $0x10080  }
0x2b: {  	[spmem:s3] =	stream.indirect.scatter.add.f32 @!p3 [tilespmem:s1], [sflag:$0x3], $0x80, s2, s0, $0xb8;
	[tilespmem:$0x1A2C0] =	vst v63  }
0x2c: {  	_ =	swait.ge @!p2 [sflag:s13], $0x8000  }
0x2d: {  	[sflag:s13] =	ssyncset.done @!p2 $0x0  }
0x2e: {  	[sflag:s13] =	ssyncadd.s32 @!p2 $0xFFFF8000  }
0x2f: {  	_ =	swait.ge @!p2 [sflag:s13], $0x80  }
0x30: {  	[sflag:s13] =	ssyncset.done @!p2 $0x0  }
0x31: {  	[sflag:s13] =	ssyncadd.s32 @!p2 $0xFFFFFF80  }
0x32: {  	_ =	swait.ge @!p2 [sflag:s13], $0x80  }
0x33: {  	[sflag:s13] =	ssyncset.done @!p2 $0x0  }
0x34: {  	s0 =	simm.s32 @!p2 $0x3;
	[sflag:s13] =	ssyncadd.s32 @!p2 $0xFFFFFF80  }
0x35: {  	s1 =	sadd.s32 @!p2 $0x1, s23;
	_ =	swait.ge @!p2 [sflag:s0], $0x4000  }
0x36: {  	p3 =	sge.s32 @!p2 s1, s20;
	[sflag:s0] =	ssyncset.done @!p2 $0x0  }
0x37: {  	p3 =	por p3, p2;
	[sflag:s0] =	ssyncadd.s32 @!p2 $0xFFFFC000  }
0x38: {  	s1 =	sadd.s32 @!p3 $0x2000, s22;
	s2 =	sadd.s32 @!p3 $0x100, s21;
	_ =	swait.ge @!p2 [sflag:s0], $0x4000  }
0x39: {  	s1 =	sand.u32 @!p3 $0x1FFFF000, s1;
	s2 =	sshrl.u32 @!p3 s2, $0x3;
	[sflag:s0] =	ssyncset.done @!p2 $0x0  }
0x3a: {  	s1 =	sadd.s32 @!p3 s5, s1;
	s13 =	simm.s32 @!p3 $0x0;
	[sflag:s0] =	ssyncadd.s32 @!p2 $0xFFFFC000  }
0x3b: {  	[tilespmem:s13], [sflag:$0x1] =	stream.linear.gather @!p3 [hbm4b:s1+s13], $0x8000, $0x38;
	[tilespmem:$0x1A2C0] =	vst v63  }
0x3c: {  	s0 =	sadd.s32 @!p3 s6, s2;
	s1 =	simm.s32 @!p3 $0x10000  }
0x3d: {  	[tilespmem:s1], [sflag:$0x1] =	stream.linear.gather @!p3 [hbm4b:s0+s13], $0x80, $0x38;
	[tilespmem:$0x1A2C0] =	vst v63  }
0x3e: {  	s0 =	sadd.s32 @!p3 s2, s9;
	s1 =	simm.s32 @!p3 $0x10080  }
0x3f: {  	[tilespmem:s1], [sflag:$0x1] =	stream.linear.gather @!p3 [hbm4b:s0+s13], $0x80, $0x38;
	[tilespmem:$0x1A2C0] =	vst v63  }
0x40: {  	s2 =	simm.s32 @!p2 $0x8000;
	s0 =	simm.s32 @!p2 $0x10100;
	s1 =	simm.s32 @!p2 $0x80  }
0x41: {  	[spmem:s3] =	stream.indirect.scatter.add.f32 @!p2 [tilespmem:s2], [sflag:$0x4], $0x80, s0, s1, $0xb8;
	[tilespmem:$0x1A2C0] =	vst v63  }
0x42: {  	s0 =	simm.s32 @!p2 $0x10180;
	s2 =	simm.s32 @!p2 $0xC000  }
0x43: {  	[spmem:s3] =	stream.indirect.scatter.add.f32 @!p2 [tilespmem:s2], [sflag:$0x4], $0x80, s0, s1, $0xb8;
	[tilespmem:$0x1A2C0] =	vst v63  }
.LBB2_7:
0x44: {  	s0 =	sand.u32 @!p1 $0x1, s20  }
0x45: {  	p2 =	seq.s32 @!p1 s0, $0x1  }
0x46: {  	s0 =	simm.s32 @!p1 $0x3;
	p2 =	por !p2, p1  }
0x47: {  	s0 =	simm.s32 @p2 $0x4  }
0x48: {  	_ =	swait.ge @!p1 [sflag:s0], $0x4000  }
0x49: {  	[sflag:s0] =	ssyncset.done @!p1 $0x0  }
0x4a: {  	[sflag:s0] =	ssyncadd.s32 @!p1 $0xFFFFC000  }
0x4b: {  	_ =	swait.ge @!p1 [sflag:s0], $0x4000  }
0x4c: {  	s19 =	sadd.s32 $0x1, s19;
	[sflag:s0] =	ssyncset.done @!p1 $0x0  }
0x4d: {  	[sflag:s0] =	ssyncadd.s32 @!p1 $0xFFFFC000;
	p1 =	sne.s32 s19, s12  }
.Ltmp1:
0x4e: {  	[bflag:$0x0] =	sbarrier.arrive $0xFFFF;
	(pc) =	sbr.rel @!p1 .LBB2_8-.Ltmp1, $4  }
0x4f: {  	[hbm:s11], [sflag:s17] =	dma.local [spmem:s18], $0x1400  }
0x50: {  	_ =	swait.ge [sflag:s16], $0x1400  }
0x51: {  	[sflag:s16] =	ssyncset.done $0x0  }
0x52: {  	[sflag:s16] =	ssyncadd.s32 $0xFFFFEC00  }
.LBB2_1:
0x53: {  	s0 =	rddreg [dreg:$0x1]  }
0x54: {  	[tilespmem:s15], [sflag:$0x5] =	stream.linear.gather [hbm4b:s0+s4], $0x80, $0x38;
	[tilespmem:$0x1A2C0] =	vst v63  }
0x55: {  	_ =	swait.ge [sflag:s16], $0x80  }
0x56: {  	[sflag:s16] =	ssyncset.done $0x0  }
0x57: {  	[sflag:s16] =	ssyncadd.s32 $0xFFFFFF80  }
0x58: {  	v0 =	vld [tilespmem:$0x10200];
	_ =	sdelay $0x4  }
0x59: {  	(xrf0) =	vadd.scan.msk.s32 $0xffff, v0;
	_ =	sdelay $0x5  }
0x5a: {  	v0, _, _ =	vpop (xrf0)  }
0x5b: {  	(v2sf) =	vpush v0, $0xF;
	_ =	sdelay $0xd  }
0x5c: {  	[tilespmem:s15], [sflag:$0x5] =	stream.linear.gather [hbm4b:s7+s4], $0x80, $0x38;
	[tilespmem:$0x1A2C0] =	vst v63  }
0x5d: {  	s20 =	spop (v2sf)  }
0x5e: {  	_ =	swait.ge [sflag:s16], $0x80  }
0x5f: {  	[sflag:s16] =	ssyncset.done $0x0  }
0x60: {  	[sflag:s16] =	ssyncadd.s32 $0xFFFFFF80  }
0x61: {  	v63 =	vld [tilespmem:$0x10200];
	_ =	sdelay $0x4  }
0x62: {  	(xrf0) =	vadd.scan.msk.s32 $0xffff, v63;
	_ =	sdelay $0x5  }
0x63: {  	v0, _, _ =	vpop (xrf0)  }
0x64: {  	(v2sf) =	vpush v0, $0xF;
	_ =	sdelay $0xe  }
0x65: {  	s21 =	spop (v2sf)  }
0x66: {  	s20 =	simm.s32 @!p0 $0x4E2;
	s21 =	simm.s32 @p0 $0x0  }
0x67: {  	s22 =	ssub.s32 s20, s21  }
0x68: {  	p1 =	sgt.s32 s22, $0x0  }
0x69: {  	s22 =	simm.s32 @!p1 $0x0  }
0x6a: {  	s22 =	sadd.s32 $0xF, s22  }
0x6b: {  	s23 =	sand.u32 $0xF, s22  }
0x6c: {  	s24 =	sshra.s32 s22, $0x1F;
	p5 =	slt.s32 s22, $0x0;
	p2 =	sne.s32 s23, $0x0  }
0x6d: {  	s26 =	sshrl.u32 s24, $0x1C;
	p1 =	por !p5, !p2  }
0x6e: {  	s23 =	simm.s32 $0x1;
	s22 =	sadd.s32 s26, s22;
	p1 =	por !p1, !p1  }
0x6f: {  	s22 =	sshra.s32 s22, $0x4;
	s23 =	simm.s32 @!p1 $0x0  }
0x70: {  	s28 =	stileid.u32;
	s22 =	ssub.s32 s22, s23  }
0x71: {  	s23 =	smul.u32 s28, s22;
	_ =	sdelay $0x1  }
0x72: {  	s23 =	sadd.s32 s21, s23  }
0x73: {  	s20 =	ssub.s32 s20, s23  }
0x74: {  	p1 =	sgt.s32 s20, $0x0  }
0x75: {  	s20 =	simm.s32 @!p1 $0x0  }
0x76: {  	p1 =	slt.s32 s22, s20  }
0x77: {  	s20 =	smov.u32 @p1 s22  }
0x78: {  	p1 =	slt.s32 s20, $0x1  }
0x79: {  	s24 =	sshll.u32 @!p1 s23, $0xC  }
0x7a: {  	s24 =	sand.u32 @!p1 $0x1FFFF000, s24  }
0x7b: {  	s25 =	sshll.u32 @!p1 s23, $0x8;
	s26 =	simm.s32 @!p1 $0x0;
	s24 =	sadd.s32 @!p1 s5, s24  }
0x7c: {  	[tilespmem:s26], [sflag:$0x1] =	stream.linear.gather @!p1 [hbm4b:s24+s26], $0x8000, $0x38;
	[tilespmem:$0x1A2C0] =	vst v63  }
0x7d: {  	s29 =	sadd.s32 $0x1, s22;
	p6 =	slt.s32 s22, $0x0;
	s24 =	sadd.s32 @!p1 s8, s25  }
0x7e: {  	s30 =	sand.u32 $0x1, s29;
	s31 =	sshrl.u32 s29, $0x1F;
	s24 =	sshrl.u32 @!p1 s24, $0x3  }
0x7f: {  	p3 =	seq.s32 s30, $0x1;
	s28 =	simm.s32 @!p1 $0x10000;
	s25 =	sadd.s32 @!p1 s6, s24  }
0x80: {  	[tilespmem:s28], [sflag:$0x1] =	stream.linear.gather @!p1 [hbm4b:s25+s26], $0x80, $0x38;
	[tilespmem:$0x1A2C0] =	vst v63  }
0x81: {  	p2 =	por !p6, !p3;
	s24 =	sadd.s32 @!p1 s24, s9;
	s25 =	simm.s32 @!p1 $0x10080  }
0x82: {  	[tilespmem:s25], [sflag:$0x1] =	stream.linear.gather @!p1 [hbm4b:s24+s26], $0x80, $0x38;
	[tilespmem:$0x1A2C0] =	vst v63  }
0x83: {  	p2 =	por !p2, !p2;
	s24 =	sadd.s32 s31, s29;
	s25 =	simm.s32 $0x1  }
0x84: {  	[spmem:s18], [sflag:s17] =	dma.local [hbm:s10], $0x1400  }
0x85: {  	s24 =	sshra.s32 s24, $0x1;
	s25 =	simm.s32 @!p2 $0x0  }
0x86: {  	s24 =	ssub.s32 s24, s25  }
0x87: {  	p2 =	slt.s32 s24, $0x1  }
.Ltmp2:
0x88: {  	_ =	swait.ge [sflag:s16], $0x1400;
	(pc) =	sbr.rel @p2 .LBB2_7-.Ltmp2, $3  }
0x89: {  	[sflag:s16] =	ssyncset.done $0x0  }
0x8a: {  	[sflag:s16] =	ssyncadd.s32 $0xFFFFEC00  }
0x8b: {  	[bflag:$0x0] =	sbarrier.arrive $0xFFFF;
	_ =	sdelay $0x1  }
0x8c: {  	s26 =	sadd.s32 $0xFFFFFFFF, s24  }
0x8d: {  	p4 =	sne.s32 s26, $0x0  }
.Ltmp3:
0x8e: {  	_ = 	snop;
	(pc) =	sbr.rel @!p4 .LBB2_6-.Ltmp3, $4  }
0x8f: {  	s22 =	smul.u32 s22, s14;
	s23 =	sshll.u32 s23, $0x8  }
0x90: {  	s25 =	sshll.u32 s21, $0xC;
	s0 =	rddreg [dreg:$0x4];
	s31 =	simm.s32 $0x0  }
0x91: {  	p2 =	por $0x0, $0x0;
	s21 =	sadd.s32 s23, s0;
	s22 =	sadd.s32 s25, s22  }
0x92: {  	s23 =	simm.s32 $0x1;
	s24 =	smov.u32 s21;
	s25 =	smov.u32 s22  }
0x93: {  	p2 =	sle.s32 s20, $0x0  }
0x94: {  	s23 =	simm.s32 @!p2 $0x1  }
0x95: {  	_ =	swait.ge @!p2 [sflag:s23], $0x8000  }
0x96: {  	[sflag:s23] =	ssyncset.done @!p2 $0x0  }
0x97: {  	[sflag:s23] =	ssyncadd.s32 @!p2 $0xFFFF8000  }
0x98: {  	_ =	swait.ge @!p2 [sflag:s23], $0x80  }
0x99: {  	[sflag:s23] =	ssyncset.done @!p2 $0x0  }
0x9a: {  	[sflag:s23] =	ssyncadd.s32 @!p2 $0xFFFFFF80  }
0x9b: {  	p3 =	por @!p2 $0x1, $0x1;
	_ =	swait.ge @!p2 [sflag:s23], $0x80  }
0x9c: {  	p3 =	por p3, p2;
	[sflag:s23] =	ssyncset.done @!p2 $0x0  }
0x9d: {  	s24 =	simm.s32 @!p3 $0x4;
	[sflag:s23] =	ssyncadd.s32 @!p2 $0xFFFFFF80  }
0x9e: {  	_ =	swait.ge @!p3 [sflag:s24], $0x4000  }
0x9f: {  	p4 =	sle.s32 @!p2 s20, $0x1;
	[sflag:s24] =	ssyncset.done @!p3 $0x0  }
0xa0: {  	p4 =	por p4, p2;
	[sflag:s24] =	ssyncadd.s32 @!p3 $0xFFFFC000  }
0xa1: {  	s25 =	sshrl.u32 @!p4 s21, $0x3;
	s23 =	sadd.s32 @!p4 $0x1000, s22;
	_ =	swait.ge @!p3 [sflag:s24], $0x4000  }
0xa2: {  	s28 =	simm.s32 @!p4 $0x8000;
	s23 =	sand.u32 @!p4 $0x1FFFF000, s23;
	[sflag:s24] =	ssyncset.done @!p3 $0x0  }
0xa3: {  	s29 =	simm.s32 @!p4 $0x0;
	s23 =	sadd.s32 @!p4 s5, s23;
	[sflag:s24] =	ssyncadd.s32 @!p3 $0xFFFFC000  }
0xa4: {  	[tilespmem:s28], [sflag:$0x2] =	stream.linear.gather @!p4 [hbm4b:s23+s29], $0x8000, $0x38;
	[tilespmem:$0x1A2C0] =	vst v63  }
0xa5: {  	s24 =	simm.s32 @!p4 $0x10100;
	s23 =	sadd.s32 @!p4 s6, s25  }
0xa6: {  	[tilespmem:s24], [sflag:$0x2] =	stream.linear.gather @!p4 [hbm4b:s23+s29], $0x80, $0x38;
	[tilespmem:$0x1A2C0] =	vst v63  }
0xa7: {  	p3 =	sle.s32 s20, $0x1;
	s23 =	sadd.s32 @!p4 s25, s9;
	s24 =	simm.s32 @!p4 $0x10180  }
0xa8: {  	[tilespmem:s24], [sflag:$0x2] =	stream.linear.gather @!p4 [hbm4b:s23+s29], $0x80, $0x38;
	[tilespmem:$0x1A2C0] =	vst v63  }
0xa9: {  	s25 =	simm.s32 @!p2 $0x0;
	s23 =	simm.s32 @!p2 $0x80;
	s24 =	simm.s32 @!p2 $0x10000  }
0xaa: {  	[spmem:s3] =	stream.indirect.scatter.add.f32 @!p2 [tilespmem:s25], [sflag:$0x3], $0x80, s24, s23, $0xb8;
	[tilespmem:$0x1A2C0] =	vst v63  }
0xab: {  	s28 =	simm.s32 @!p3 $0x2;
	s24 =	simm.s32 @!p2 $0x4000;
	s25 =	simm.s32 @!p2 $0x10080  }
0xac: {  	[spmem:s3] =	stream.indirect.scatter.add.f32 @!p2 [tilespmem:s24], [sflag:$0x3], $0x80, s25, s23, $0xb8;
	[tilespmem:$0x1A2C0] =	vst v63  }
0xad: {  	_ =	swait.ge @!p3 [sflag:s28], $0x8000  }
0xae: {  	[sflag:s28] =	ssyncset.done @!p3 $0x0  }
0xaf: {  	[sflag:s28] =	ssyncadd.s32 @!p3 $0xFFFF8000  }
0xb0: {  	_ =	swait.ge @!p3 [sflag:s28], $0x80  }
0xb1: {  	[sflag:s28] =	ssyncset.done @!p3 $0x0  }
0xb2: {  	[sflag:s28] =	ssyncadd.s32 @!p3 $0xFFFFFF80  }
0xb3: {  	_ =	swait.ge @!p3 [sflag:s28], $0x80  }
0xb4: {  	[sflag:s28] =	ssyncset.done @!p3 $0x0  }
0xb5: {  	s23 =	simm.s32 @!p3 $0x3;
	[sflag:s28] =	ssyncadd.s32 @!p3 $0xFFFFFF80  }
0xb6: {  	_ =	swait.ge @!p3 [sflag:s23], $0x4000  }
0xb7: {  	p2 =	sle.s32 @!p3 s20, $0x2;
	[sflag:s23] =	ssyncset.done @!p3 $0x0  }
0xb8: {  	s26 =	sadd.s32 $0xFFFFFFFF, s26;
	p2 =	por p2, p3;
	[sflag:s23] =	ssyncadd.s32 @!p3 $0xFFFFC000  }
0xb9: {  	s24 =	sadd.s32 @!p2 $0x2000, s22;
	s25 =	sadd.s32 @!p2 $0x100, s21;
	_ =	swait.ge @!p3 [sflag:s23], $0x4000  }
0xba: {  	s24 =	sand.u32 @!p2 $0x1FFFF000, s24;
	s25 =	sshrl.u32 @!p2 s25, $0x3;
	[sflag:s23] =	ssyncset.done @!p3 $0x0  }
0xbb: {  	s24 =	sadd.s32 @!p2 s5, s24;
	s28 =	simm.s32 @!p2 $0x0;
	[sflag:s23] =	ssyncadd.s32 @!p3 $0xFFFFC000  }
0xbc: {  	[tilespmem:s28], [sflag:$0x1] =	stream.linear.gather @!p2 [hbm4b:s24+s28], $0x8000, $0x38;
	[tilespmem:$0x1A2C0] =	vst v63  }
0xbd: {  	p4 =	sne.s32 s26, $0x0;
	s23 =	sadd.s32 @!p2 s6, s25;
	s24 =	simm.s32 @!p2 $0x10000  }
0xbe: {  	[tilespmem:s24], [sflag:$0x1] =	stream.linear.gather @!p2 [hbm4b:s23+s28], $0x80, $0x38;
	[tilespmem:$0x1A2C0] =	vst v63  }
.Ltmp4:
0xbf: {  	s31 =	simm.s32 $0x2;
	(pc) =	sbr.rel @!p4 .LBB2_4-.Ltmp4, $4  }
0xc0: {  	s30 =	simm.s32 @!p3 $0x8000;
	s23 =	sadd.s32 @!p2 s25, s9;
	s24 =	simm.s32 @!p2 $0x10080  }
0xc1: {  	[tilespmem:s24], [sflag:$0x1] =	stream.linear.gather @!p2 [hbm4b:s23+s28], $0x80, $0x38;
	[tilespmem:$0x1A2C0] =	vst v63  }
0xc2: {  	s29 =	simm.s32 @!p3 $0x10100;
	s25 =	smov.u32 s22;
	s28 =	simm.s32 @!p3 $0x80  }
0xc3: {  	s23 =	simm.s32 $0x3;
	p2 =	por $0x1, $0x1;
	s24 =	smov.u32 s21  }
.LBB2_5:
0xc4: {  	s26 =	sadd.s32 $0xFFFFFFFF, s26;
	s24 =	sadd.s32 $0x200, s24;
	s25 =	sadd.s32 $0x2000, s25  }
0xc5: {  	[spmem:s3] =	stream.indirect.scatter.add.f32 @!p3 [tilespmem:s30], [sflag:$0x4], $0x80, s29, s28, $0xb8;
	[tilespmem:$0x1A2C0] =	vst v63  }
0xc6: {  	p5 =	sge.s32 s31, s20;
	s29 =	simm.s32 @!p3 $0x10180;
	s30 =	simm.s32 @!p3 $0xC000  }
0xc7: {  	p4 =	sne.s32 s26, $0x0;
	s31 =	simm.s32 @!p5 $0x1  }
0xc8: {  	[spmem:s3] =	stream.indirect.scatter.add.f32 @!p3 [tilespmem:s30], [sflag:$0x4], $0x80, s29, s28, $0xb8;
	[tilespmem:$0x1A2C0] =	vst v63  }
0xc9: {  	_ =	swait.ge @!p5 [sflag:s31], $0x8000  }
0xca: {  	[sflag:s31] =	ssyncset.done @!p5 $0x0  }
0xcb: {  	[sflag:s31] =	ssyncadd.s32 @!p5 $0xFFFF8000  }
0xcc: {  	_ =	swait.ge @!p5 [sflag:s31], $0x80  }
0xcd: {  	[sflag:s31] =	ssyncset.done @!p5 $0x0  }
0xce: {  	p3 =	seq.s32 @!p5 s23, $0x1;
	[sflag:s31] =	ssyncadd.s32 @!p5 $0xFFFFFF80  }
0xcf: {  	p3 =	por p3, p5;
	_ =	swait.ge @!p5 [sflag:s31], $0x80  }
0xd0: {  	s28 =	simm.s32 @!p3 $0x4;
	[sflag:s31] =	ssyncset.done @!p5 $0x0  }
0xd1: {  	[sflag:s31] =	ssyncadd.s32 @!p5 $0xFFFFFF80  }
0xd2: {  	p6 =	sge.s32 @!p5 s23, s20;
	_ =	swait.ge @!p3 [sflag:s28], $0x4000  }
0xd3: {  	p6 =	por p6, p5;
	[sflag:s28] =	ssyncset.done @!p3 $0x0  }
0xd4: {  	s29 =	sadd.s32 @!p6 $0x1000, s25;
	s30 =	sshrl.u32 @!p6 s24, $0x3;
	[sflag:s28] =	ssyncadd.s32 @!p3 $0xFFFFC000  }
0xd5: {  	s29 =	sand.u32 @!p6 $0x1FFFF000, s29;
	s31 =	simm.s32 @!p6 $0x8000;
	_ =	swait.ge @!p3 [sflag:s28], $0x4000  }
0xd6: {  	s0 =	simm.s32 @!p6 $0x0;
	s29 =	sadd.s32 @!p6 s5, s29;
	[sflag:s28] =	ssyncset.done @!p3 $0x0  }
0xd7: {  	[sflag:s28] =	ssyncadd.s32 @!p3 $0xFFFFC000;
	s28 =	sadd.s32 @!p6 s6, s30;
	s30 =	sadd.s32 @!p6 s30, s9  }
0xd8: {  	[tilespmem:s31], [sflag:$0x2] =	stream.linear.gather @!p6 [hbm4b:s29+s0], $0x8000, $0x38;
	[tilespmem:$0x1A2C0] =	vst v63  }
0xd9: {  	s29 =	simm.s32 @!p6 $0x10100  }
0xda: {  	[tilespmem:s29], [sflag:$0x2] =	stream.linear.gather @!p6 [hbm4b:s28+s0], $0x80, $0x38;
	[tilespmem:$0x1A2C0] =	vst v63  }
0xdb: {  	p3 =	sge.s32 s23, s20;
	s28 =	simm.s32 @!p6 $0x10180;
	s29 =	simm.s32 @!p5 $0x4000  }
0xdc: {  	[tilespmem:s28], [sflag:$0x2] =	stream.linear.gather @!p6 [hbm4b:s30+s0], $0x80, $0x38;
	[tilespmem:$0x1A2C0] =	vst v63  }
0xdd: {  	s0 =	simm.s32 @!p5 $0x80;
	s28 =	simm.s32 @!p5 $0x10000;
	s30 =	simm.s32 @!p5 $0x0  }
0xde: {  	[spmem:s3] =	stream.indirect.scatter.add.f32 @!p5 [tilespmem:s30], [sflag:$0x3], $0x80, s28, s0, $0xb8;
	[tilespmem:$0x1A2C0] =	vst v63  }
0xdf: {  	s31 =	simm.s32 @!p3 $0x2;
	s28 =	simm.s32 @!p5 $0x10080;
	s30 =	sadd.s32 @!p3 $0x1, s23  }
0xe0: {  	[spmem:s3] =	stream.indirect.scatter.add.f32 @!p5 [tilespmem:s29], [sflag:$0x3], $0x80, s28, s0, $0xb8;
	[tilespmem:$0x1A2C0] =	vst v63  }
0xe1: {  	p5 =	sge.s32 @!p3 s30, s20;
	s29 =	simm.s32 @!p3 $0x10100;
	_ =	swait.ge @!p3 [sflag:s31], $0x8000  }
0xe2: {  	s28 =	simm.s32 @!p3 $0x80;
	s30 =	simm.s32 @!p3 $0x8000;
	[sflag:s31] =	ssyncset.done @!p3 $0x0  }
0xe3: {  	[sflag:s31] =	ssyncadd.s32 @!p3 $0xFFFF8000  }
0xe4: {  	_ =	swait.ge @!p3 [sflag:s31], $0x80  }
0xe5: {  	[sflag:s31] =	ssyncset.done @!p3 $0x0  }
0xe6: {  	[sflag:s31] =	ssyncadd.s32 @!p3 $0xFFFFFF80  }
0xe7: {  	_ =	swait.ge @!p3 [sflag:s31], $0x80  }
0xe8: {  	s0 =	simm.s32 @!p3 $0x3;
	[sflag:s31] =	ssyncset.done @!p3 $0x0  }
0xe9: {  	[sflag:s31] =	ssyncadd.s32 @!p3 $0xFFFFFF80  }
0xea: {  	s23 =	sadd.s32 $0x2, s23;
	_ =	swait.ge @!p3 [sflag:s0], $0x4000  }
0xeb: {  	p5 =	por p5, p3;
	s31 =	sadd.s32 $0xFFFFFFFF, s23;
	[sflag:s0] =	ssyncset.done @!p3 $0x0  }
0xec: {  	s1 =	sadd.s32 @!p5 $0x2000, s25;
	s2 =	sadd.s32 @!p5 $0x100, s24;
	[sflag:s0] =	ssyncadd.s32 @!p3 $0xFFFFC000  }
0xed: {  	s1 =	sand.u32 @!p5 $0x1FFFF000, s1;
	s2 =	sshrl.u32 @!p5 s2, $0x3;
	_ =	swait.ge @!p3 [sflag:s0], $0x4000  }
0xee: {  	s13 =	simm.s32 @!p5 $0x0;
	s1 =	sadd.s32 @!p5 s5, s1;
	[sflag:s0] =	ssyncset.done @!p3 $0x0  }
0xef: {  	[sflag:s0] =	ssyncadd.s32 @!p3 $0xFFFFC000;
	s0 =	sadd.s32 @!p5 s6, s2;
	s2 =	sadd.s32 @!p5 s2, s9  }
0xf0: {  	[tilespmem:s13], [sflag:$0x1] =	stream.linear.gather @!p5 [hbm4b:s1+s13], $0x8000, $0x38;
	[tilespmem:$0x1A2C0] =	vst v63  }
.Ltmp5:
0xf1: {  	_ = 	snop;
	(pc) =	sbr.rel @p4 .LBB2_5-.Ltmp5, $4  }
0xf2: {  	s1 =	simm.s32 @!p5 $0x10000  }
0xf3: {  	[tilespmem:s1], [sflag:$0x1] =	stream.linear.gather @!p5 [hbm4b:s0+s13], $0x80, $0x38;
	[tilespmem:$0x1A2C0] =	vst v63  }
0xf4: {  	s0 =	simm.s32 @!p5 $0x10080  }
0xf5: {  	[tilespmem:s0], [sflag:$0x1] =	stream.linear.gather @!p5 [hbm4b:s2+s13], $0x80, $0x38;
	[tilespmem:$0x1A2C0] =	vst v63  }
.Ltmp6:
0xf6: {  	_ = 	snop;
	(pc) =	sbr.rel .LBB2_6-.Ltmp6, $1  }
0xf7: {  	_ =	sdelay $0x3  }
.LBB2_8:
0xf8: {  	_ =	sfence.sel $0x180000  }
0xf9: {  	[bflag:$0x0] =	sbarrier.arrive $0xFFFF  }
0xfa: {  	_ =	strace $0x90000047  }
0xfb: {  	s0 =	stileid.u32;
	[bflag:$0x2] =	sbarrier.arrive $0xFFFF  }
0xfc: {  	p0 =	sne.s32 s0, $0x0;
	s0 =	rddreg [dreg:$0x3]  }
0xfd: {  	s0 =	sadd.s32 @!p0 $0x100000, s0  }
0xfe: {  	[sflag:s0] =	ssyncadd.tile.s32 @!p0 $0x1;
	_ =	shalt  }
.Lfunc_end2:
_tile_overlayer_lowered:
.L_overlay_start_2:
0xff: {  	(tag) =	ssettag $0x2  }
0x100: {  	s0 =	rddreg [dreg:$0x0];
	s2 =	stileid.u32  }
0x101: {  	s1 =	rddreg [dreg:$0x1];
	p0 =	sne.s32 s2, $0x0  }
0x102: {  	s3 =	rddreg [dreg:$0x2];
	[bflag:$0x3] =	sbarrier.arrive $0xFFFF;
	s2 =	simm.s32 @!p0 $0x1C05  }
0x103: {  	[timem:s3], [sflag:s2] =	dma.local @!p0 [hbm:s0], s1  }
0x104: {  	s0 =	simm.s32 @!p0 $0x5  }
0x105: {  	_ =	swait.ge @!p0 [sflag:s0], s1  }
0x106: {  	s1 =	ssub.s32 @!p0 $0x0, s1;
	[sflag:s0] =	ssyncset.done @!p0 $0x0  }
0x107: {  	[sflag:s0] =	ssyncadd.s32 @!p0 s1  }
0x108: {  	[bflag:$0x3] =	sbarrier.arrive $0xFFFF  }
0x109: {  	_ =	shalt  }

</sc_bundles>
